<compile_context>
chip_gen: v7x
topology: tpu7x:2x2x1
jax: 0.10.2.dev20260603
libtpu: 0.0.44.dev20260713+nightly
codegen_flags: <defaults>
</compile_context>

<pallas_src>
import functools

import jax
import jax.numpy as jnp
from jax import lax
from jax.experimental import pallas as pl
from jax.experimental.pallas import tpu as pltpu
from jax.experimental.pallas import tpu_sc as plsc

N = 10000
NP = 10240
E = 320000
D = 128
NC = 2
NS = 16
NW = NC * NS
NH = NP // 2
CHD = 79
CHA = 158
SD = NP // NS
SA = NH // NS
SB = 64
ZROW = 10016
R = 1024

_mesh = plsc.VectorSubcoreMesh(core_axis_name="c", subcore_axis_name="s")



@functools.partial(
    pl.kernel,
    out_type=jax.ShapeDtypeStruct((NC * NP,), jnp.float32),
    mesh=_mesh,
    scratch_types=[
        pltpu.VMEM((CHD, 128), jnp.int32),
        pltpu.VMEM((128,), jnp.float32),
        pltpu.VMEM((SD,), jnp.float32),
        pltpu.VMEM_SHARED((NP,), jnp.float32),
    ],
)
def _deg_kernel(dst_hbm, ones_hbm, zeros_hbm, out_hbm, idx_v, ones_v,
                stripe_v, acc_sh):
    c = lax.axis_index("c")
    s = lax.axis_index("s")
    wid = s * NC + c
    pltpu.sync_copy(dst_hbm.at[wid], idx_v)
    pltpu.sync_copy(ones_hbm, ones_v)
    pltpu.sync_copy(zeros_hbm, stripe_v)
    pltpu.sync_copy(stripe_v, acc_sh.at[pl.ds(s * SD, SD)])
    plsc.subcore_barrier()

    @pl.loop(0, CHD)
    def _(i):
        pltpu.sync_copy(ones_v, acc_sh.at[idx_v.at[i]], add=True)

    plsc.subcore_barrier()
    pltpu.sync_copy(acc_sh.at[pl.ds(s * SD, SD)], stripe_v)
    pltpu.sync_copy(stripe_v, out_hbm.at[pl.ds(c * NP + s * SD, SD)])


@functools.partial(
    pl.kernel,
    out_type=(jax.ShapeDtypeStruct((NP, D), jnp.float32),
              jax.ShapeDtypeStruct((NP, D), jnp.float32)),
    mesh=_mesh,
    scratch_types=[
        pltpu.VMEM((CHA, 128), jnp.int32),
        pltpu.VMEM((CHA, 128), jnp.int32),
        pltpu.VMEM((128, D), jnp.float32),
        pltpu.VMEM((SB, D), jnp.float32),
        pltpu.VMEM((SB, D), jnp.float32),
        pltpu.VMEM((SB, D), jnp.float32),
        pltpu.VMEM((8, D), jnp.float32),
        pltpu.VMEM_SHARED((NH, D), jnp.float32),
        pltpu.SemaphoreType.DMA,
        pltpu.SemaphoreType.REGULAR,
    ],
)
def _fused_kernel(y1_hbm, dinv_hbm, b1_hbm, src_hbm, dst_hbm,
                  y2_hbm, z_hbm,
                  srcv, dstv, gbufa, ba, bb, bc, b1v, acc_sh,
                  sga, hsem):
    c = lax.axis_index("c")
    s = lax.axis_index("s")
    pltpu.sync_copy(src_hbm.at[c].at[s], srcv)
    pltpu.sync_copy(dst_hbm.at[c].at[s], dstv)
    pltpu.sync_copy(b1_hbm, b1v)

    def run_layer(table):
        @pl.loop(0, CHA)
        def _(i):
            pltpu.async_copy(table.at[srcv.at[i]], gbufa, sga).wait()
            pltpu.sync_copy(gbufa, acc_sh.at[dstv.at[i]], add=True)

    @pl.loop(0, SA // SB)
    def _(j):
        r = s * SA + j * SB
        pltpu.sync_copy(y1_hbm.at[pl.ds(c * NH + r, SB)], ba)
        pltpu.sync_copy(ba, acc_sh.at[pl.ds(r, SB)])

    plsc.subcore_barrier()

    run_layer(y1_hbm)
    plsc.subcore_barrier()

    @pl.loop(0, SA // SB)
    def _(j):
        r = s * SA + j * SB
        g = c * NH + r
        pltpu.sync_copy(acc_sh.at[pl.ds(r, SB)], ba)
        pltpu.sync_copy(dinv_hbm.at[pl.ds(g, SB)], bb)

        @pl.loop(0, SB)
        def _(row):
            live = (g + row) < N

            @pl.loop(0, D // 16)
            def _(k):
                col = pl.ds(k * 16, 16)
                dv = bb[row, col]
                h = jnp.maximum(dv * ba[row, col] + b1v[0, col], 0.0)
                bc[row, col] = jnp.where(live, dv * h, 0.0)

        pltpu.sync_copy(bc, y2_hbm.at[pl.ds(g, SB)])
        pltpu.sync_copy(bc, acc_sh.at[pl.ds(r, SB)])

    plsc.subcore_barrier()

    pltpu.semaphore_signal(hsem, 1, core_index=1 - c)
    pltpu.semaphore_wait(hsem, 1)

    run_layer(y2_hbm)
    plsc.subcore_barrier()

    @pl.loop(0, SA // SB)
    def _(j):
        r = s * SA + j * SB
        g = c * NH + r
        pltpu.sync_copy(acc_sh.at[pl.ds(r, SB)], ba)
        pltpu.sync_copy(dinv_hbm.at[pl.ds(g, SB)], bb)

        @pl.loop(0, SB)
        def _(row):
            @pl.loop(0, D // 16)
            def _(k):
                col = pl.ds(k * 16, 16)
                bc[row, col] = bb[row, col] * ba[row, col]

        pltpu.sync_copy(bc, z_hbm.at[pl.ds(g, SB)])



def _lin1_body(x_ref, w_ref, degp_ref, y_ref, dinv_ref):
    deg = degp_ref[0, :, 0:1] + degp_ref[1, :, 0:1] + 1.0
    dinv = lax.rsqrt(deg)
    y = jnp.dot(x_ref[...], w_ref[...], preferred_element_type=jnp.float32)
    y_ref[...] = y * dinv
    dinv_ref[...] = jnp.broadcast_to(dinv, (R, D))


def _out_body(z_ref, wmu_ref, wls_ref, bmu_ref, bls_ref, mu_ref, ls_ref):
    z = z_ref[...]
    mu_ref[...] = jnp.dot(z, wmu_ref[...],
                          preferred_element_type=jnp.float32) + bmu_ref[...]
    ls_ref[...] = jnp.dot(z, wls_ref[...],
                          preferred_element_type=jnp.float32) + bls_ref[...]


def kernel(x, edge_index, W1, b1, Wmu, bmu, Wls, bls):
    f32 = jnp.float32
    src = edge_index[0]
    dst = edge_index[1]

    padd = jnp.full((NW * CHD * 128 - E,), NP - 1, jnp.int32)
    dst_deg = jnp.concatenate([dst, padd]).reshape(NW, CHD, 128)

    pada = jnp.full((NS * CHA * 128 - E,), -1, jnp.int32)
    srcp = jnp.concatenate([src, pada])
    dstp = jnp.concatenate([dst, pada])
    in0 = (dstp >= 0) & (dstp < NH)
    in1 = dstp >= NH
    dst_agg = jnp.stack([jnp.where(in0, dstp, 0),
                         jnp.where(in1, dstp - NH, 0)]).reshape(2, NS, CHA,
                                                                128)
    src_agg = jnp.stack([jnp.where(in0, srcp, ZROW),
                         jnp.where(in1, srcp, ZROW)]).reshape(2, NS, CHA, 128)

    x_pad = jnp.zeros((NP, D), f32).at[:N].set(x)
    ones1 = jnp.ones((128,), f32)
    zeros1 = jnp.zeros((SD,), f32)

    deg1 = _deg_kernel(dst_deg, ones1, zeros1)
    degp = jnp.broadcast_to(deg1.reshape(NC, NP, 1), (NC, NP, 8))

    grid = (NP // R,)
    y1, dinv_b = pl.pallas_call(
        _lin1_body,
        grid=grid,
        in_specs=[pl.BlockSpec((R, D), lambda i: (i, 0)),
                  pl.BlockSpec((D, D), lambda i: (0, 0)),
                  pl.BlockSpec((2, R, 8), lambda i: (0, i, 0))],
        out_specs=[pl.BlockSpec((R, D), lambda i: (i, 0)),
                   pl.BlockSpec((R, D), lambda i: (i, 0))],
        out_shape=[jax.ShapeDtypeStruct((NP, D), f32),
                   jax.ShapeDtypeStruct((NP, D), f32)],
    )(x_pad, W1, degp)

    b1t = jnp.broadcast_to(b1.reshape(1, D), (8, D))
    _, z = _fused_kernel(y1, dinv_b, b1t, src_agg, dst_agg)

    mu, ls = pl.pallas_call(
        _out_body,
        grid=grid,
        in_specs=[pl.BlockSpec((R, D), lambda i: (i, 0)),
                  pl.BlockSpec((D, 64), lambda i: (0, 0)),
                  pl.BlockSpec((D, 64), lambda i: (0, 0)),
                  pl.BlockSpec((1, 64), lambda i: (0, 0)),
                  pl.BlockSpec((1, 64), lambda i: (0, 0))],
        out_specs=[pl.BlockSpec((R, 64), lambda i: (i, 0)),
                   pl.BlockSpec((R, 64), lambda i: (i, 0))],
        out_shape=[jax.ShapeDtypeStruct((NP, 64), f32),
                   jax.ShapeDtypeStruct((NP, 64), f32)],
    )(z, Wmu, Wls, bmu.reshape(1, 64), bls.reshape(1, 64))

    return (mu[:N], ls[:N])

# --- scband reference (transcript-rebuilt; emitter-appended) ---
"""Pipeline reference for scband-graph-encoder-90460601189230 (READ-ONLY COPY).

The authoritative reference and input builder live on the scoring server;
editing this copy changes nothing except your own understanding.
"""

import jax, jax.numpy as jnp
import numpy as np


def gcn_conv(x, edge_index, W, b):
    n = x.shape[0]
    loop = jnp.arange(n, dtype=edge_index.dtype)
    src = jnp.concatenate([edge_index[0], loop])
    dst = jnp.concatenate([edge_index[1], loop])
    ones = jnp.ones(src.shape[0], dtype=x.dtype)
    deg = jnp.zeros(n, dtype=x.dtype).at[dst].add(ones)
    dinv = jnp.where(deg > 0, deg ** -0.5, jnp.zeros_like(deg))
    norm = dinv[src] * dinv[dst]
    h = x @ W
    msg = h[src] * norm[:, None]
    out = jnp.zeros((n, W.shape[1]), dtype=x.dtype).at[dst].add(msg)
    return out + b


def setup_inputs(seed: int = 0):
    key = jax.random.key(seed)
    ks = jax.random.split(key, 8)
    n, e, d_in, d_out = 10000, 320000, 128, 64
    x = jax.random.normal(ks[0], (n, d_in), dtype=jnp.float32)
    edge_index = jax.random.randint(ks[1], (2, e), 0, n, dtype=jnp.int32)
    W1 = jax.random.normal(ks[2], (d_in, 2 * d_out), dtype=jnp.float32) * (1.0 / np.sqrt(d_in))
    b1 = jnp.zeros((2 * d_out,), dtype=jnp.float32)
    Wmu = jax.random.normal(ks[3], (2 * d_out, d_out), dtype=jnp.float32) * (1.0 / np.sqrt(2 * d_out))
    bmu = jnp.zeros((d_out,), dtype=jnp.float32)
    Wls = jax.random.normal(ks[4], (2 * d_out, d_out), dtype=jnp.float32) * (1.0 / np.sqrt(2 * d_out))
    bls = jnp.zeros((d_out,), dtype=jnp.float32)
    return {"x": x, "edge_index": edge_index, "W1": W1, "b1": b1, "Wmu": Wmu, "bmu": bmu, "Wls": Wls, "bls": bls}


def reference(x, edge_index, W1, b1, Wmu, bmu, Wls, bls):
    h = jax.nn.relu(gcn_conv(x, edge_index, W1, b1))
    # dropout in eval mode is identity
    mu = gcn_conv(h, edge_index, Wmu, bmu)
    logstd = gcn_conv(h, edge_index, Wls, bls)
    return (mu, logstd)

if __name__ == "__main__":
    import jax
    _d = setup_inputs()
    print(jax.jit(kernel)(*tuple(_d.values())))

</pallas_src>

<mosaic_0001>
#map = affine_map<(d0, d1) -> (0, 0)>
#map1 = affine_map<(d0, d1) -> (0, 0, 0, 0)>
module attributes {stable_mosaic.version = 14 : i64} {
  func.func @_fused_kernel(%arg0: i32, %arg1: i32, %arg2: memref<10240x128xf32, #tpu.memory_space<hbm>>, %arg3: memref<10240x128xf32, #tpu.memory_space<hbm>>, %arg4: memref<8x128xf32, #tpu.memory_space<hbm>>, %arg5: memref<2x16x158x128xi32, #tpu.memory_space<hbm>>, %arg6: memref<2x16x158x128xi32, #tpu.memory_space<hbm>>, %arg7: memref<10240x128xf32, #tpu.memory_space<hbm>>, %arg8: memref<10240x128xf32, #tpu.memory_space<hbm>>, %arg9: memref<158x128xi32, #tpu.memory_space<vmem>>, %arg10: memref<158x128xi32, #tpu.memory_space<vmem>>, %arg11: memref<128x128xf32, #tpu.memory_space<vmem>>, %arg12: memref<64x128xf32, #tpu.memory_space<vmem>>, %arg13: memref<64x128xf32, #tpu.memory_space<vmem>>, %arg14: memref<64x128xf32, #tpu.memory_space<vmem>>, %arg15: memref<8x128xf32, #tpu.memory_space<vmem>>, %arg16: memref<5120x128xf32, #tpu.memory_space<vmem_shared>>, %arg17: memref<!tpu.dma_semaphore, #tpu.memory_space<semaphore_mem>>, %arg18: memref<!tpu.semaphore, #tpu.memory_space<semaphore_mem>>) attributes {dimension_semantics = [#tpu.dimension_semantics<core_parallel>, #tpu.dimension_semantics<subcore_parallel>], iteration_bounds = array<i64: 2, 16>, scalar_prefetch = 0 : i64, scratch_operands = 10 : i64, tpu.core_type = #tpu.core_type<sc_vector_subcore>, window_params = [{transform_indices = #map}, {transform_indices = #map}, {transform_indices = #map}, {transform_indices = #map1}, {transform_indices = #map1}, {transform_indices = #map}, {transform_indices = #map}]} {
    "tpu.region"() ({
      %run_scoped3A = tpu.sem_alloc : memref<!tpu.dma_semaphore, #tpu.memory_space<semaphore_mem>>
      %dma_start3A = arith.constant 0 : i32
      %dma_start3A_29 = arith.constant 0 : i32
      %dma_start3A_30 = arith.constant 0 : i32
      %dma_start3A_31 = tpu.memref_slice %arg5[%arg0, %dma_start3A, %dma_start3A_29, %dma_start3A_30] : memref<2x16x158x128xi32, #tpu.memory_space<hbm>> -> memref<1x16x158x128xi32, #tpu.memory_space<hbm>>
      %dma_start3A_32 = tpu.memref_squeeze %dma_start3A_31 : memref<1x16x158x128xi32, #tpu.memory_space<hbm>> -> memref<16x158x128xi32, #tpu.memory_space<hbm>>
      %dma_start3A_33 = arith.constant 0 : i32
      %dma_start3A_34 = arith.constant 0 : i32
      %dma_start3A_35 = tpu.memref_slice %dma_start3A_32[%arg1, %dma_start3A_33, %dma_start3A_34] : memref<16x158x128xi32, #tpu.memory_space<hbm>> -> memref<1x158x128xi32, #tpu.memory_space<hbm>>
      %dma_start3A_36 = tpu.memref_squeeze %dma_start3A_35 : memref<1x158x128xi32, #tpu.memory_space<hbm>> -> memref<158x128xi32, #tpu.memory_space<hbm>>
      %dma_start3A_37 = arith.constant 0 : i32
      %dma_start3A_38 = arith.constant 0 : i32
      %dma_start3A_39 = arith.constant 0 : i32
      %dma_start3A_40 = tpu.memref_slice %arg5[%arg0, %dma_start3A_37, %dma_start3A_38, %dma_start3A_39] : memref<2x16x158x128xi32, #tpu.memory_space<hbm>> -> memref<1x16x158x128xi32, #tpu.memory_space<hbm>>
      %dma_start3A_41 = tpu.memref_squeeze %dma_start3A_40 : memref<1x16x158x128xi32, #tpu.memory_space<hbm>> -> memref<16x158x128xi32, #tpu.memory_space<hbm>>
      %dma_start3A_42 = arith.constant 0 : i32
      %dma_start3A_43 = arith.constant 0 : i32
      %dma_start3A_44 = tpu.memref_slice %dma_start3A_41[%arg1, %dma_start3A_42, %dma_start3A_43] : memref<16x158x128xi32, #tpu.memory_space<hbm>> -> memref<1x158x128xi32, #tpu.memory_space<hbm>>
      %dma_start3A_45 = tpu.memref_squeeze %dma_start3A_44 : memref<1x158x128xi32, #tpu.memory_space<hbm>> -> memref<158x128xi32, #tpu.memory_space<hbm>>
      tpu.enqueue_dma source(%dma_start3A_45 : memref<158x128xi32, #tpu.memory_space<hbm>>) target(%arg9 : memref<158x128xi32, #tpu.memory_space<vmem>>) target_semaphore(%run_scoped3A : memref<!tpu.dma_semaphore, #tpu.memory_space<semaphore_mem>>)
      %dma_wait3A = arith.constant 0 : i32
      %dma_wait3A_46 = arith.constant 0 : i32
      %dma_wait3A_47 = arith.constant 0 : i32
      %dma_wait3A_48 = tpu.memref_slice %arg5[%arg0, %dma_wait3A, %dma_wait3A_46, %dma_wait3A_47] : memref<2x16x158x128xi32, #tpu.memory_space<hbm>> -> memref<1x16x158x128xi32, #tpu.memory_space<hbm>>
      %dma_wait3A_49 = tpu.memref_squeeze %dma_wait3A_48 : memref<1x16x158x128xi32, #tpu.memory_space<hbm>> -> memref<16x158x128xi32, #tpu.memory_space<hbm>>
      %dma_wait3A_50 = arith.constant 0 : i32
      %dma_wait3A_51 = arith.constant 0 : i32
      %dma_wait3A_52 = tpu.memref_slice %dma_wait3A_49[%arg1, %dma_wait3A_50, %dma_wait3A_51] : memref<16x158x128xi32, #tpu.memory_space<hbm>> -> memref<1x158x128xi32, #tpu.memory_space<hbm>>
      %dma_wait3A_53 = tpu.memref_squeeze %dma_wait3A_52 : memref<1x158x128xi32, #tpu.memory_space<hbm>> -> memref<158x128xi32, #tpu.memory_space<hbm>>
      %dma_wait3A_54 = arith.constant 0 : i32
      %dma_wait3A_55 = arith.constant 0 : i32
      %dma_wait3A_56 = arith.constant 0 : i32
      %dma_wait3A_57 = tpu.memref_slice %arg5[%arg0, %dma_wait3A_54, %dma_wait3A_55, %dma_wait3A_56] : memref<2x16x158x128xi32, #tpu.memory_space<hbm>> -> memref<1x16x158x128xi32, #tpu.memory_space<hbm>>
      %dma_wait3A_58 = tpu.memref_squeeze %dma_wait3A_57 : memref<1x16x158x128xi32, #tpu.memory_space<hbm>> -> memref<16x158x128xi32, #tpu.memory_space<hbm>>
      %dma_wait3A_59 = arith.constant 0 : i32
      %dma_wait3A_60 = arith.constant 0 : i32
      %dma_wait3A_61 = tpu.memref_slice %dma_wait3A_58[%arg1, %dma_wait3A_59, %dma_wait3A_60] : memref<16x158x128xi32, #tpu.memory_space<hbm>> -> memref<1x158x128xi32, #tpu.memory_space<hbm>>
      %dma_wait3A_62 = tpu.memref_squeeze %dma_wait3A_61 : memref<1x158x128xi32, #tpu.memory_space<hbm>> -> memref<158x128xi32, #tpu.memory_space<hbm>>
      tpu.wait_dma2 semaphore(%run_scoped3A : memref<!tpu.dma_semaphore, #tpu.memory_space<semaphore_mem>>) src(%dma_wait3A_62 : memref<158x128xi32, #tpu.memory_space<hbm>>) dst(%arg9 : memref<158x128xi32, #tpu.memory_space<vmem>>)
      tpu.yield
    }) : () -> ()
    "tpu.region"() ({
      %run_scoped3A = tpu.sem_alloc : memref<!tpu.dma_semaphore, #tpu.memory_space<semaphore_mem>>
      %dma_start3A = arith.constant 0 : i32
      %dma_start3A_29 = arith.constant 0 : i32
      %dma_start3A_30 = arith.constant 0 : i32
      %dma_start3A_31 = tpu.memref_slice %arg6[%arg0, %dma_start3A, %dma_start3A_29, %dma_start3A_30] : memref<2x16x158x128xi32, #tpu.memory_space<hbm>> -> memref<1x16x158x128xi32, #tpu.memory_space<hbm>>
      %dma_start3A_32 = tpu.memref_squeeze %dma_start3A_31 : memref<1x16x158x128xi32, #tpu.memory_space<hbm>> -> memref<16x158x128xi32, #tpu.memory_space<hbm>>
      %dma_start3A_33 = arith.constant 0 : i32
      %dma_start3A_34 = arith.constant 0 : i32
      %dma_start3A_35 = tpu.memref_slice %dma_start3A_32[%arg1, %dma_start3A_33, %dma_start3A_34] : memref<16x158x128xi32, #tpu.memory_space<hbm>> -> memref<1x158x128xi32, #tpu.memory_space<hbm>>
      %dma_start3A_36 = tpu.memref_squeeze %dma_start3A_35 : memref<1x158x128xi32, #tpu.memory_space<hbm>> -> memref<158x128xi32, #tpu.memory_space<hbm>>
      %dma_start3A_37 = arith.constant 0 : i32
      %dma_start3A_38 = arith.constant 0 : i32
      %dma_start3A_39 = arith.constant 0 : i32
      %dma_start3A_40 = tpu.memref_slice %arg6[%arg0, %dma_start3A_37, %dma_start3A_38, %dma_start3A_39] : memref<2x16x158x128xi32, #tpu.memory_space<hbm>> -> memref<1x16x158x128xi32, #tpu.memory_space<hbm>>
      %dma_start3A_41 = tpu.memref_squeeze %dma_start3A_40 : memref<1x16x158x128xi32, #tpu.memory_space<hbm>> -> memref<16x158x128xi32, #tpu.memory_space<hbm>>
      %dma_start3A_42 = arith.constant 0 : i32
      %dma_start3A_43 = arith.constant 0 : i32
      %dma_start3A_44 = tpu.memref_slice %dma_start3A_41[%arg1, %dma_start3A_42, %dma_start3A_43] : memref<16x158x128xi32, #tpu.memory_space<hbm>> -> memref<1x158x128xi32, #tpu.memory_space<hbm>>
      %dma_start3A_45 = tpu.memref_squeeze %dma_start3A_44 : memref<1x158x128xi32, #tpu.memory_space<hbm>> -> memref<158x128xi32, #tpu.memory_space<hbm>>
      tpu.enqueue_dma source(%dma_start3A_45 : memref<158x128xi32, #tpu.memory_space<hbm>>) target(%arg10 : memref<158x128xi32, #tpu.memory_space<vmem>>) target_semaphore(%run_scoped3A : memref<!tpu.dma_semaphore, #tpu.memory_space<semaphore_mem>>)
      %dma_wait3A = arith.constant 0 : i32
      %dma_wait3A_46 = arith.constant 0 : i32
      %dma_wait3A_47 = arith.constant 0 : i32
      %dma_wait3A_48 = tpu.memref_slice %arg6[%arg0, %dma_wait3A, %dma_wait3A_46, %dma_wait3A_47] : memref<2x16x158x128xi32, #tpu.memory_space<hbm>> -> memref<1x16x158x128xi32, #tpu.memory_space<hbm>>
      %dma_wait3A_49 = tpu.memref_squeeze %dma_wait3A_48 : memref<1x16x158x128xi32, #tpu.memory_space<hbm>> -> memref<16x158x128xi32, #tpu.memory_space<hbm>>
      %dma_wait3A_50 = arith.constant 0 : i32
      %dma_wait3A_51 = arith.constant 0 : i32
      %dma_wait3A_52 = tpu.memref_slice %dma_wait3A_49[%arg1, %dma_wait3A_50, %dma_wait3A_51] : memref<16x158x128xi32, #tpu.memory_space<hbm>> -> memref<1x158x128xi32, #tpu.memory_space<hbm>>
      %dma_wait3A_53 = tpu.memref_squeeze %dma_wait3A_52 : memref<1x158x128xi32, #tpu.memory_space<hbm>> -> memref<158x128xi32, #tpu.memory_space<hbm>>
      %dma_wait3A_54 = arith.constant 0 : i32
      %dma_wait3A_55 = arith.constant 0 : i32
      %dma_wait3A_56 = arith.constant 0 : i32
      %dma_wait3A_57 = tpu.memref_slice %arg6[%arg0, %dma_wait3A_54, %dma_wait3A_55, %dma_wait3A_56] : memref<2x16x158x128xi32, #tpu.memory_space<hbm>> -> memref<1x16x158x128xi32, #tpu.memory_space<hbm>>
      %dma_wait3A_58 = tpu.memref_squeeze %dma_wait3A_57 : memref<1x16x158x128xi32, #tpu.memory_space<hbm>> -> memref<16x158x128xi32, #tpu.memory_space<hbm>>
      %dma_wait3A_59 = arith.constant 0 : i32
      %dma_wait3A_60 = arith.constant 0 : i32
      %dma_wait3A_61 = tpu.memref_slice %dma_wait3A_58[%arg1, %dma_wait3A_59, %dma_wait3A_60] : memref<16x158x128xi32, #tpu.memory_space<hbm>> -> memref<1x158x128xi32, #tpu.memory_space<hbm>>
      %dma_wait3A_62 = tpu.memref_squeeze %dma_wait3A_61 : memref<1x158x128xi32, #tpu.memory_space<hbm>> -> memref<158x128xi32, #tpu.memory_space<hbm>>
      tpu.wait_dma2 semaphore(%run_scoped3A : memref<!tpu.dma_semaphore, #tpu.memory_space<semaphore_mem>>) src(%dma_wait3A_62 : memref<158x128xi32, #tpu.memory_space<hbm>>) dst(%arg10 : memref<158x128xi32, #tpu.memory_space<vmem>>)
      tpu.yield
    }) : () -> ()
    "tpu.region"() ({
      %run_scoped3A = tpu.sem_alloc : memref<!tpu.dma_semaphore, #tpu.memory_space<semaphore_mem>>
      tpu.enqueue_dma source(%arg4 : memref<8x128xf32, #tpu.memory_space<hbm>>) target(%arg15 : memref<8x128xf32, #tpu.memory_space<vmem>>) target_semaphore(%run_scoped3A : memref<!tpu.dma_semaphore, #tpu.memory_space<semaphore_mem>>)
      tpu.wait_dma2 semaphore(%run_scoped3A : memref<!tpu.dma_semaphore, #tpu.memory_space<semaphore_mem>>) src(%arg4 : memref<8x128xf32, #tpu.memory_space<hbm>>) dst(%arg15 : memref<8x128xf32, #tpu.memory_space<vmem>>)
      tpu.yield
    }) : () -> ()
    %scan3A = arith.constant 0 : i32
    %scan3A_0 = arith.constant 5 : i32
    %scan3A_1 = arith.addi %scan3A, %scan3A_0 : i32
    %scan3A_2 = arith.constant 1 : i32
    scf.for %scan3A_29 = %scan3A to %scan3A_1 step %scan3A_2  : i32 {
      %mul3A = arith.constant 1 : i32
      %mul3A_30 = arith.muli %scan3A_29, %mul3A : i32
      %add3A = arith.constant 0 : i32
      %add3A_31 = arith.addi %add3A, %mul3A_30 : i32
      %mul3A_32 = arith.constant 320 : i32
      %mul3A_33 = arith.muli %arg1, %mul3A_32 : i32
      %mul3A_34 = arith.constant 64 : i32
      %mul3A_35 = arith.muli %add3A_31, %mul3A_34 : i32
      %add3A_36 = arith.addi %mul3A_33, %mul3A_35 : i32
      %mul3A_37 = arith.constant 5120 : i32
      %mul3A_38 = arith.muli %arg0, %mul3A_37 : i32
      %add3A_39 = arith.addi %mul3A_38, %add3A_36 : i32
      "tpu.region"() ({
        %run_scoped3A = tpu.sem_alloc : memref<!tpu.dma_semaphore, #tpu.memory_space<semaphore_mem>>
        %dma_start3A = arith.constant 0 : i32
        %dma_start3A_40 = tpu.memref_slice %arg2[%add3A_39, %dma_start3A] : memref<10240x128xf32, #tpu.memory_space<hbm>> -> memref<64x128xf32, #tpu.memory_space<hbm>>
        %dma_start3A_41 = arith.constant 0 : i32
        %dma_start3A_42 = tpu.memref_slice %arg2[%add3A_39, %dma_start3A_41] : memref<10240x128xf32, #tpu.memory_space<hbm>> -> memref<64x128xf32, #tpu.memory_space<hbm>>
        tpu.enqueue_dma source(%dma_start3A_42 : memref<64x128xf32, #tpu.memory_space<hbm>>) target(%arg12 : memref<64x128xf32, #tpu.memory_space<vmem>>) target_semaphore(%run_scoped3A : memref<!tpu.dma_semaphore, #tpu.memory_space<semaphore_mem>>)
        %dma_wait3A = arith.constant 0 : i32
        %dma_wait3A_43 = tpu.memref_slice %arg2[%add3A_39, %dma_wait3A] : memref<10240x128xf32, #tpu.memory_space<hbm>> -> memref<64x128xf32, #tpu.memory_space<hbm>>
        %dma_wait3A_44 = arith.constant 0 : i32
        %dma_wait3A_45 = tpu.memref_slice %arg2[%add3A_39, %dma_wait3A_44] : memref<10240x128xf32, #tpu.memory_space<hbm>> -> memref<64x128xf32, #tpu.memory_space<hbm>>
        tpu.wait_dma2 semaphore(%run_scoped3A : memref<!tpu.dma_semaphore, #tpu.memory_space<semaphore_mem>>) src(%dma_wait3A_45 : memref<64x128xf32, #tpu.memory_space<hbm>>) dst(%arg12 : memref<64x128xf32, #tpu.memory_space<vmem>>)
        tpu.yield
      }) : () -> ()
      "tpu.region"() ({
        %run_scoped3A = tpu.sem_alloc : memref<!tpu.dma_semaphore, #tpu.memory_space<semaphore_mem>>
        %dma_start3A = arith.constant 0 : i32
        %dma_start3A_40 = tpu.memref_slice %arg16[%add3A_36, %dma_start3A] : memref<5120x128xf32, #tpu.memory_space<vmem_shared>> -> memref<64x128xf32, #tpu.memory_space<vmem_shared>>
        %dma_start3A_41 = arith.constant 0 : i32
        %dma_start3A_42 = tpu.memref_slice %arg16[%add3A_36, %dma_start3A_41] : memref<5120x128xf32, #tpu.memory_space<vmem_shared>> -> memref<64x128xf32, #tpu.memory_space<vmem_shared>>
        tpu.enqueue_dma source(%arg12 : memref<64x128xf32, #tpu.memory_space<vmem>>) target(%dma_start3A_42 : memref<64x128xf32, #tpu.memory_space<vmem_shared>>) target_semaphore(%run_scoped3A : memref<!tpu.dma_semaphore, #tpu.memory_space<semaphore_mem>>)
        %dma_wait3A = arith.constant 0 : i32
        %dma_wait3A_43 = tpu.memref_slice %arg16[%add3A_36, %dma_wait3A] : memref<5120x128xf32, #tpu.memory_space<vmem_shared>> -> memref<64x128xf32, #tpu.memory_space<vmem_shared>>
        %dma_wait3A_44 = arith.constant 0 : i32
        %dma_wait3A_45 = tpu.memref_slice %arg16[%add3A_36, %dma_wait3A_44] : memref<5120x128xf32, #tpu.memory_space<vmem_shared>> -> memref<64x128xf32, #tpu.memory_space<vmem_shared>>
        tpu.wait_dma2 semaphore(%run_scoped3A : memref<!tpu.dma_semaphore, #tpu.memory_space<semaphore_mem>>) src(%arg12 : memref<64x128xf32, #tpu.memory_space<vmem>>) dst(%dma_wait3A_45 : memref<64x128xf32, #tpu.memory_space<vmem_shared>>)
        tpu.yield
      }) : () -> ()
    }
    %scan3A_3 = arith.constant 5 : i32
    %barrier3A = arith.constant 0 : index
    tpu.barrier barrier_id(%barrier3A)
    %scan3A_4 = arith.constant 0 : i32
    %scan3A_5 = arith.constant 158 : i32
    %scan3A_6 = arith.addi %scan3A_4, %scan3A_5 : i32
    %scan3A_7 = arith.constant 1 : i32
    scf.for %scan3A_29 = %scan3A_4 to %scan3A_6 step %scan3A_7  : i32 {
      %mul3A = arith.constant 1 : i32
      %mul3A_30 = arith.muli %scan3A_29, %mul3A : i32
      %add3A = arith.constant 0 : i32
      %add3A_31 = arith.addi %add3A, %mul3A_30 : i32
      %dma_start3A = arith.constant 0 : i32
      %dma_start3A_32 = tpu.memref_slice %arg9[%add3A_31, %dma_start3A] : memref<158x128xi32, #tpu.memory_space<vmem>> -> memref<1x128xi32, #tpu.memory_space<vmem>>
      %dma_start3A_33 = tpu.memref_squeeze %dma_start3A_32 : memref<1x128xi32, #tpu.memory_space<vmem>> -> memref<128xi32, #tpu.memory_space<vmem>>
      %dma_start3A_34 = arith.constant 0 : i32
      %dma_start3A_35 = arith.constant 0 : i32
      %dma_start3A_36 = tpu.memref_slice %arg2[%dma_start3A_34, %dma_start3A_35] : memref<10240x128xf32, #tpu.memory_space<hbm>> -> memref<10240x128xf32, #tpu.memory_space<hbm>>
      tpu.enqueue_indirect_dma source(%dma_start3A_36 : memref<10240x128xf32, #tpu.memory_space<hbm>>) target(%arg11 : memref<128x128xf32, #tpu.memory_space<vmem>>) offsets(%dma_start3A_33 : memref<128xi32, #tpu.memory_space<vmem>>) semaphore(%arg17 : memref<!tpu.dma_semaphore, #tpu.memory_space<semaphore_mem>>)
      %dma_wait3A = arith.constant 0 : i32
      %dma_wait3A_37 = tpu.memref_slice %arg9[%add3A_31, %dma_wait3A] : memref<158x128xi32, #tpu.memory_space<vmem>> -> memref<1x128xi32, #tpu.memory_space<vmem>>
      %dma_wait3A_38 = tpu.memref_squeeze %dma_wait3A_37 : memref<1x128xi32, #tpu.memory_space<vmem>> -> memref<128xi32, #tpu.memory_space<vmem>>
      %dma_wait3A_39 = arith.constant 0 : i32
      %dma_wait3A_40 = arith.constant 0 : i32
      %dma_wait3A_41 = tpu.memref_slice %arg2[%dma_wait3A_39, %dma_wait3A_40] : memref<10240x128xf32, #tpu.memory_space<hbm>> -> memref<10240x128xf32, #tpu.memory_space<hbm>>
      tpu.wait_indirect_dma semaphore(%arg17 : memref<!tpu.dma_semaphore, #tpu.memory_space<semaphore_mem>>) src(%dma_wait3A_41 : memref<10240x128xf32, #tpu.memory_space<hbm>>) dst(%arg11 : memref<128x128xf32, #tpu.memory_space<vmem>>)
      "tpu.region"() ({
        %run_scoped3A = tpu.sem_alloc : memref<!tpu.dma_semaphore, #tpu.memory_space<semaphore_mem>>
        %dma_start3A_42 = arith.constant 0 : i32
        %dma_start3A_43 = tpu.memref_slice %arg10[%add3A_31, %dma_start3A_42] : memref<158x128xi32, #tpu.memory_space<vmem>> -> memref<1x128xi32, #tpu.memory_space<vmem>>
        %dma_start3A_44 = tpu.memref_squeeze %dma_start3A_43 : memref<1x128xi32, #tpu.memory_space<vmem>> -> memref<128xi32, #tpu.memory_space<vmem>>
        %dma_start3A_45 = arith.constant 0 : i32
        %dma_start3A_46 = arith.constant 0 : i32
        %dma_start3A_47 = tpu.memref_slice %arg16[%dma_start3A_45, %dma_start3A_46] : memref<5120x128xf32, #tpu.memory_space<vmem_shared>> -> memref<5120x128xf32, #tpu.memory_space<vmem_shared>>
        tpu.enqueue_indirect_dma source(%arg11 : memref<128x128xf32, #tpu.memory_space<vmem>>) target(%dma_start3A_47 : memref<5120x128xf32, #tpu.memory_space<vmem_shared>>) offsets(%dma_start3A_44 : memref<128xi32, #tpu.memory_space<vmem>>) semaphore(%run_scoped3A : memref<!tpu.dma_semaphore, #tpu.memory_space<semaphore_mem>>) {add = true}
        %dma_wait3A_48 = arith.constant 0 : i32
        %dma_wait3A_49 = tpu.memref_slice %arg10[%add3A_31, %dma_wait3A_48] : memref<158x128xi32, #tpu.memory_space<vmem>> -> memref<1x128xi32, #tpu.memory_space<vmem>>
        %dma_wait3A_50 = tpu.memref_squeeze %dma_wait3A_49 : memref<1x128xi32, #tpu.memory_space<vmem>> -> memref<128xi32, #tpu.memory_space<vmem>>
        %dma_wait3A_51 = arith.constant 0 : i32
        %dma_wait3A_52 = arith.constant 0 : i32
        %dma_wait3A_53 = tpu.memref_slice %arg16[%dma_wait3A_51, %dma_wait3A_52] : memref<5120x128xf32, #tpu.memory_space<vmem_shared>> -> memref<5120x128xf32, #tpu.memory_space<vmem_shared>>
        tpu.wait_indirect_dma semaphore(%run_scoped3A : memref<!tpu.dma_semaphore, #tpu.memory_space<semaphore_mem>>) src(%arg11 : memref<128x128xf32, #tpu.memory_space<vmem>>) dst(%dma_wait3A_53 : memref<5120x128xf32, #tpu.memory_space<vmem_shared>>)
        tpu.yield
      }) : () -> ()
    }
    %scan3A_8 = arith.constant 158 : i32
    %barrier3A_9 = arith.constant 0 : index
    tpu.barrier barrier_id(%barrier3A_9)
    %scan3A_10 = arith.constant 0 : i32
    %scan3A_11 = arith.constant 5 : i32
    %scan3A_12 = arith.addi %scan3A_10, %scan3A_11 : i32
    %scan3A_13 = arith.constant 1 : i32
    scf.for %scan3A_29 = %scan3A_10 to %scan3A_12 step %scan3A_13  : i32 {
      %mul3A = arith.constant 1 : i32
      %mul3A_30 = arith.muli %scan3A_29, %mul3A : i32
      %add3A = arith.constant 0 : i32
      %add3A_31 = arith.addi %add3A, %mul3A_30 : i32
      %mul3A_32 = arith.constant 320 : i32
      %mul3A_33 = arith.muli %arg1, %mul3A_32 : i32
      %mul3A_34 = arith.constant 64 : i32
      %mul3A_35 = arith.muli %add3A_31, %mul3A_34 : i32
      %add3A_36 = arith.addi %mul3A_33, %mul3A_35 : i32
      %mul3A_37 = arith.constant 5120 : i32
      %mul3A_38 = arith.muli %arg0, %mul3A_37 : i32
      %add3A_39 = arith.addi %mul3A_38, %add3A_36 : i32
      "tpu.region"() ({
        %run_scoped3A = tpu.sem_alloc : memref<!tpu.dma_semaphore, #tpu.memory_space<semaphore_mem>>
        %dma_start3A = arith.constant 0 : i32
        %dma_start3A_45 = tpu.memref_slice %arg16[%add3A_36, %dma_start3A] : memref<5120x128xf32, #tpu.memory_space<vmem_shared>> -> memref<64x128xf32, #tpu.memory_space<vmem_shared>>
        %dma_start3A_46 = arith.constant 0 : i32
        %dma_start3A_47 = tpu.memref_slice %arg16[%add3A_36, %dma_start3A_46] : memref<5120x128xf32, #tpu.memory_space<vmem_shared>> -> memref<64x128xf32, #tpu.memory_space<vmem_shared>>
        tpu.enqueue_dma source(%dma_start3A_47 : memref<64x128xf32, #tpu.memory_space<vmem_shared>>) target(%arg12 : memref<64x128xf32, #tpu.memory_space<vmem>>) target_semaphore(%run_scoped3A : memref<!tpu.dma_semaphore, #tpu.memory_space<semaphore_mem>>)
        %dma_wait3A = arith.constant 0 : i32
        %dma_wait3A_48 = tpu.memref_slice %arg16[%add3A_36, %dma_wait3A] : memref<5120x128xf32, #tpu.memory_space<vmem_shared>> -> memref<64x128xf32, #tpu.memory_space<vmem_shared>>
        %dma_wait3A_49 = arith.constant 0 : i32
        %dma_wait3A_50 = tpu.memref_slice %arg16[%add3A_36, %dma_wait3A_49] : memref<5120x128xf32, #tpu.memory_space<vmem_shared>> -> memref<64x128xf32, #tpu.memory_space<vmem_shared>>
        tpu.wait_dma2 semaphore(%run_scoped3A : memref<!tpu.dma_semaphore, #tpu.memory_space<semaphore_mem>>) src(%dma_wait3A_50 : memref<64x128xf32, #tpu.memory_space<vmem_shared>>) dst(%arg12 : memref<64x128xf32, #tpu.memory_space<vmem>>)
        tpu.yield
      }) : () -> ()
      "tpu.region"() ({
        %run_scoped3A = tpu.sem_alloc : memref<!tpu.dma_semaphore, #tpu.memory_space<semaphore_mem>>
        %dma_start3A = arith.constant 0 : i32
        %dma_start3A_45 = tpu.memref_slice %arg3[%add3A_39, %dma_start3A] : memref<10240x128xf32, #tpu.memory_space<hbm>> -> memref<64x128xf32, #tpu.memory_space<hbm>>
        %dma_start3A_46 = arith.constant 0 : i32
        %dma_start3A_47 = tpu.memref_slice %arg3[%add3A_39, %dma_start3A_46] : memref<10240x128xf32, #tpu.memory_space<hbm>> -> memref<64x128xf32, #tpu.memory_space<hbm>>
        tpu.enqueue_dma source(%dma_start3A_47 : memref<64x128xf32, #tpu.memory_space<hbm>>) target(%arg13 : memref<64x128xf32, #tpu.memory_space<vmem>>) target_semaphore(%run_scoped3A : memref<!tpu.dma_semaphore, #tpu.memory_space<semaphore_mem>>)
        %dma_wait3A = arith.constant 0 : i32
        %dma_wait3A_48 = tpu.memref_slice %arg3[%add3A_39, %dma_wait3A] : memref<10240x128xf32, #tpu.memory_space<hbm>> -> memref<64x128xf32, #tpu.memory_space<hbm>>
        %dma_wait3A_49 = arith.constant 0 : i32
        %dma_wait3A_50 = tpu.memref_slice %arg3[%add3A_39, %dma_wait3A_49] : memref<10240x128xf32, #tpu.memory_space<hbm>> -> memref<64x128xf32, #tpu.memory_space<hbm>>
        tpu.wait_dma2 semaphore(%run_scoped3A : memref<!tpu.dma_semaphore, #tpu.memory_space<semaphore_mem>>) src(%dma_wait3A_50 : memref<64x128xf32, #tpu.memory_space<hbm>>) dst(%arg13 : memref<64x128xf32, #tpu.memory_space<vmem>>)
        tpu.yield
      }) : () -> ()
      %scan3A_40 = arith.constant 0 : i32
      %scan3A_41 = arith.constant 64 : i32
      %scan3A_42 = arith.addi %scan3A_40, %scan3A_41 : i32
      %scan3A_43 = arith.constant 1 : i32
      scf.for %scan3A_45 = %scan3A_40 to %scan3A_42 step %scan3A_43  : i32 {
        %mul3A_46 = arith.constant 1 : i32
        %mul3A_47 = arith.muli %scan3A_45, %mul3A_46 : i32
        %add3A_48 = arith.constant 0 : i32
        %add3A_49 = arith.addi %add3A_48, %mul3A_47 : i32
        %add3A_50 = arith.addi %add3A_39, %add3A_49 : i32
        %lt3A = arith.constant 10000 : i32
        %lt3A_51 = arith.cmpi slt, %add3A_50, %lt3A : i32
        %scan3A_52 = arith.constant 0 : i32
        %scan3A_53 = arith.constant 8 : i32
        %scan3A_54 = arith.addi %scan3A_52, %scan3A_53 : i32
        %scan3A_55 = arith.constant 1 : i32
        scf.for %scan3A_57 = %scan3A_52 to %scan3A_54 step %scan3A_55  : i32 {
          %mul3A_58 = arith.constant 1 : i32
          %mul3A_59 = arith.muli %scan3A_57, %mul3A_58 : i32
          %add3A_60 = arith.constant 0 : i32
          %add3A_61 = arith.addi %add3A_60, %mul3A_59 : i32
          %mul3A_62 = arith.constant 16 : i32
          %mul3A_63 = arith.muli %add3A_61, %mul3A_62 : i32
          %get3A = arith.index_cast %add3A_49 : i32 to index
          %get3A_64 = arith.index_cast %mul3A_63 : i32 to index
          %get3A_65 = tpu.vector_load %arg13[%get3A, %get3A_64] {strides = array<i32>} : memref<64x128xf32, #tpu.memory_space<vmem>>, vector<1x16xf32>,
          %get3A_66 = vector.shape_cast %get3A_65 : vector<1x16xf32> to vector<16xf32>
          %get3A_67 = arith.index_cast %add3A_49 : i32 to index
          %get3A_68 = arith.index_cast %mul3A_63 : i32 to index
          %get3A_69 = tpu.vector_load %arg12[%get3A_67, %get3A_68] {strides = array<i32>} : memref<64x128xf32, #tpu.memory_space<vmem>>, vector<1x16xf32>,
          %get3A_70 = vector.shape_cast %get3A_69 : vector<1x16xf32> to vector<16xf32>
          %mul3A_71 = arith.mulf %get3A_66, %get3A_70 : vector<16xf32>
          %get3A_72 = arith.constant 0 : i32
          %get3A_73 = arith.index_cast %get3A_72 : i32 to index
          %get3A_74 = arith.index_cast %mul3A_63 : i32 to index
          %get3A_75 = tpu.vector_load %arg15[%get3A_73, %get3A_74] {strides = array<i32>} : memref<8x128xf32, #tpu.memory_space<vmem>>, vector<1x16xf32>,
          %get3A_76 = vector.shape_cast %get3A_75 : vector<1x16xf32> to vector<16xf32>
          %add3A_77 = arith.addf %mul3A_71, %get3A_76 : vector<16xf32>
          %max3A = arith.constant 0.000000e+00 : f32
          %max3A_78 = vector.broadcast %max3A : f32 to vector<16xf32>
          %max3A_79 = arith.maximumf %add3A_77, %max3A_78 : vector<16xf32>
          %mul3A_80 = arith.mulf %get3A_66, %max3A_79 : vector<16xf32>
          %jit3A = arith.constant 0.000000e+00 : f32
          %broadcast_in_dim3A = vector.broadcast %jit3A : f32 to vector<16xf32>
          %select_n3A = arith.select %lt3A_51, %mul3A_80, %broadcast_in_dim3A : vector<16xf32>
          %swap3A = arith.index_cast %add3A_49 : i32 to index
          %swap3A_81 = arith.index_cast %mul3A_63 : i32 to index
          %swap3A_82 = tpu.vector_load %arg14[%swap3A, %swap3A_81] {strides = array<i32>} : memref<64x128xf32, #tpu.memory_space<vmem>>, vector<1x16xf32>,
          %swap3A_83 = vector.shape_cast %swap3A_82 : vector<1x16xf32> to vector<16xf32>
          %swap3A_84 = vector.shape_cast %select_n3A : vector<16xf32> to vector<1x16xf32>
          tpu.vector_store %arg14[%swap3A, %swap3A_81], %swap3A_84 {strides = array<i32>} : memref<64x128xf32, #tpu.memory_space<vmem>>, vector<1x16xf32>,
        }
        %scan3A_56 = arith.constant 8 : i32
      }
      %scan3A_44 = arith.constant 64 : i32
      "tpu.region"() ({
        %run_scoped3A = tpu.sem_alloc : memref<!tpu.dma_semaphore, #tpu.memory_space<semaphore_mem>>
        %dma_start3A = arith.constant 0 : i32
        %dma_start3A_45 = tpu.memref_slice %arg7[%add3A_39, %dma_start3A] : memref<10240x128xf32, #tpu.memory_space<hbm>> -> memref<64x128xf32, #tpu.memory_space<hbm>>
        %dma_start3A_46 = arith.constant 0 : i32
        %dma_start3A_47 = tpu.memref_slice %arg7[%add3A_39, %dma_start3A_46] : memref<10240x128xf32, #tpu.memory_space<hbm>> -> memref<64x128xf32, #tpu.memory_space<hbm>>
        tpu.enqueue_dma source(%arg14 : memref<64x128xf32, #tpu.memory_space<vmem>>) target(%dma_start3A_47 : memref<64x128xf32, #tpu.memory_space<hbm>>) target_semaphore(%run_scoped3A : memref<!tpu.dma_semaphore, #tpu.memory_space<semaphore_mem>>)
        %dma_wait3A = arith.constant 0 : i32
        %dma_wait3A_48 = tpu.memref_slice %arg7[%add3A_39, %dma_wait3A] : memref<10240x128xf32, #tpu.memory_space<hbm>> -> memref<64x128xf32, #tpu.memory_space<hbm>>
        %dma_wait3A_49 = arith.constant 0 : i32
        %dma_wait3A_50 = tpu.memref_slice %arg7[%add3A_39, %dma_wait3A_49] : memref<10240x128xf32, #tpu.memory_space<hbm>> -> memref<64x128xf32, #tpu.memory_space<hbm>>
        tpu.wait_dma2 semaphore(%run_scoped3A : memref<!tpu.dma_semaphore, #tpu.memory_space<semaphore_mem>>) src(%arg14 : memref<64x128xf32, #tpu.memory_space<vmem>>) dst(%dma_wait3A_50 : memref<64x128xf32, #tpu.memory_space<hbm>>)
        tpu.yield
      }) : () -> ()
      "tpu.region"() ({
        %run_scoped3A = tpu.sem_alloc : memref<!tpu.dma_semaphore, #tpu.memory_space<semaphore_mem>>
        %dma_start3A = arith.constant 0 : i32
        %dma_start3A_45 = tpu.memref_slice %arg16[%add3A_36, %dma_start3A] : memref<5120x128xf32, #tpu.memory_space<vmem_shared>> -> memref<64x128xf32, #tpu.memory_space<vmem_shared>>
        %dma_start3A_46 = arith.constant 0 : i32
        %dma_start3A_47 = tpu.memref_slice %arg16[%add3A_36, %dma_start3A_46] : memref<5120x128xf32, #tpu.memory_space<vmem_shared>> -> memref<64x128xf32, #tpu.memory_space<vmem_shared>>
        tpu.enqueue_dma source(%arg14 : memref<64x128xf32, #tpu.memory_space<vmem>>) target(%dma_start3A_47 : memref<64x128xf32, #tpu.memory_space<vmem_shared>>) target_semaphore(%run_scoped3A : memref<!tpu.dma_semaphore, #tpu.memory_space<semaphore_mem>>)
        %dma_wait3A = arith.constant 0 : i32
        %dma_wait3A_48 = tpu.memref_slice %arg16[%add3A_36, %dma_wait3A] : memref<5120x128xf32, #tpu.memory_space<vmem_shared>> -> memref<64x128xf32, #tpu.memory_space<vmem_shared>>
        %dma_wait3A_49 = arith.constant 0 : i32
        %dma_wait3A_50 = tpu.memref_slice %arg16[%add3A_36, %dma_wait3A_49] : memref<5120x128xf32, #tpu.memory_space<vmem_shared>> -> memref<64x128xf32, #tpu.memory_space<vmem_shared>>
        tpu.wait_dma2 semaphore(%run_scoped3A : memref<!tpu.dma_semaphore, #tpu.memory_space<semaphore_mem>>) src(%arg14 : memref<64x128xf32, #tpu.memory_space<vmem>>) dst(%dma_wait3A_50 : memref<64x128xf32, #tpu.memory_space<vmem_shared>>)
        tpu.yield
      }) : () -> ()
    }
    %scan3A_14 = arith.constant 5 : i32
    %barrier3A_15 = arith.constant 0 : index
    tpu.barrier barrier_id(%barrier3A_15)
    %sub3A = arith.constant 1 : i32
    %sub3A_16 = arith.subi %sub3A, %arg0 : i32
    %semaphore_signal3A = arith.constant 1 : i32
    tpu.sem_signal %arg18, %semaphore_signal3A core_id %sub3A_16 : memref<!tpu.semaphore, #tpu.memory_space<semaphore_mem>>
    %semaphore_wait3A = arith.constant 1 : i32
    %semaphore_wait3A_17 = arith.constant true
    tpu.sem_wait %arg18, %semaphore_wait3A : memref<!tpu.semaphore, #tpu.memory_space<semaphore_mem>>
    %scan3A_18 = arith.constant 0 : i32
    %scan3A_19 = arith.constant 158 : i32
    %scan3A_20 = arith.addi %scan3A_18, %scan3A_19 : i32
    %scan3A_21 = arith.constant 1 : i32
    scf.for %scan3A_29 = %scan3A_18 to %scan3A_20 step %scan3A_21  : i32 {
      %mul3A = arith.constant 1 : i32
      %mul3A_30 = arith.muli %scan3A_29, %mul3A : i32
      %add3A = arith.constant 0 : i32
      %add3A_31 = arith.addi %add3A, %mul3A_30 : i32
      %dma_start3A = arith.constant 0 : i32
      %dma_start3A_32 = tpu.memref_slice %arg9[%add3A_31, %dma_start3A] : memref<158x128xi32, #tpu.memory_space<vmem>> -> memref<1x128xi32, #tpu.memory_space<vmem>>
      %dma_start3A_33 = tpu.memref_squeeze %dma_start3A_32 : memref<1x128xi32, #tpu.memory_space<vmem>> -> memref<128xi32, #tpu.memory_space<vmem>>
      %dma_start3A_34 = arith.constant 0 : i32
      %dma_start3A_35 = arith.constant 0 : i32
      %dma_start3A_36 = tpu.memref_slice %arg7[%dma_start3A_34, %dma_start3A_35] : memref<10240x128xf32, #tpu.memory_space<hbm>> -> memref<10240x128xf32, #tpu.memory_space<hbm>>
      tpu.enqueue_indirect_dma source(%dma_start3A_36 : memref<10240x128xf32, #tpu.memory_space<hbm>>) target(%arg11 : memref<128x128xf32, #tpu.memory_space<vmem>>) offsets(%dma_start3A_33 : memref<128xi32, #tpu.memory_space<vmem>>) semaphore(%arg17 : memref<!tpu.dma_semaphore, #tpu.memory_space<semaphore_mem>>)
      %dma_wait3A = arith.constant 0 : i32
      %dma_wait3A_37 = tpu.memref_slice %arg9[%add3A_31, %dma_wait3A] : memref<158x128xi32, #tpu.memory_space<vmem>> -> memref<1x128xi32, #tpu.memory_space<vmem>>
      %dma_wait3A_38 = tpu.memref_squeeze %dma_wait3A_37 : memref<1x128xi32, #tpu.memory_space<vmem>> -> memref<128xi32, #tpu.memory_space<vmem>>
      %dma_wait3A_39 = arith.constant 0 : i32
      %dma_wait3A_40 = arith.constant 0 : i32
      %dma_wait3A_41 = tpu.memref_slice %arg7[%dma_wait3A_39, %dma_wait3A_40] : memref<10240x128xf32, #tpu.memory_space<hbm>> -> memref<10240x128xf32, #tpu.memory_space<hbm>>
      tpu.wait_indirect_dma semaphore(%arg17 : memref<!tpu.dma_semaphore, #tpu.memory_space<semaphore_mem>>) src(%dma_wait3A_41 : memref<10240x128xf32, #tpu.memory_space<hbm>>) dst(%arg11 : memref<128x128xf32, #tpu.memory_space<vmem>>)
      "tpu.region"() ({
        %run_scoped3A = tpu.sem_alloc : memref<!tpu.dma_semaphore, #tpu.memory_space<semaphore_mem>>
        %dma_start3A_42 = arith.constant 0 : i32
        %dma_start3A_43 = tpu.memref_slice %arg10[%add3A_31, %dma_start3A_42] : memref<158x128xi32, #tpu.memory_space<vmem>> -> memref<1x128xi32, #tpu.memory_space<vmem>>
        %dma_start3A_44 = tpu.memref_squeeze %dma_start3A_43 : memref<1x128xi32, #tpu.memory_space<vmem>> -> memref<128xi32, #tpu.memory_space<vmem>>
        %dma_start3A_45 = arith.constant 0 : i32
        %dma_start3A_46 = arith.constant 0 : i32
        %dma_start3A_47 = tpu.memref_slice %arg16[%dma_start3A_45, %dma_start3A_46] : memref<5120x128xf32, #tpu.memory_space<vmem_shared>> -> memref<5120x128xf32, #tpu.memory_space<vmem_shared>>
        tpu.enqueue_indirect_dma source(%arg11 : memref<128x128xf32, #tpu.memory_space<vmem>>) target(%dma_start3A_47 : memref<5120x128xf32, #tpu.memory_space<vmem_shared>>) offsets(%dma_start3A_44 : memref<128xi32, #tpu.memory_space<vmem>>) semaphore(%run_scoped3A : memref<!tpu.dma_semaphore, #tpu.memory_space<semaphore_mem>>) {add = true}
        %dma_wait3A_48 = arith.constant 0 : i32
        %dma_wait3A_49 = tpu.memref_slice %arg10[%add3A_31, %dma_wait3A_48] : memref<158x128xi32, #tpu.memory_space<vmem>> -> memref<1x128xi32, #tpu.memory_space<vmem>>
        %dma_wait3A_50 = tpu.memref_squeeze %dma_wait3A_49 : memref<1x128xi32, #tpu.memory_space<vmem>> -> memref<128xi32, #tpu.memory_space<vmem>>
        %dma_wait3A_51 = arith.constant 0 : i32
        %dma_wait3A_52 = arith.constant 0 : i32
        %dma_wait3A_53 = tpu.memref_slice %arg16[%dma_wait3A_51, %dma_wait3A_52] : memref<5120x128xf32, #tpu.memory_space<vmem_shared>> -> memref<5120x128xf32, #tpu.memory_space<vmem_shared>>
        tpu.wait_indirect_dma semaphore(%run_scoped3A : memref<!tpu.dma_semaphore, #tpu.memory_space<semaphore_mem>>) src(%arg11 : memref<128x128xf32, #tpu.memory_space<vmem>>) dst(%dma_wait3A_53 : memref<5120x128xf32, #tpu.memory_space<vmem_shared>>)
        tpu.yield
      }) : () -> ()
    }
    %scan3A_22 = arith.constant 158 : i32
    %barrier3A_23 = arith.constant 0 : index
    tpu.barrier barrier_id(%barrier3A_23)
    %scan3A_24 = arith.constant 0 : i32
    %scan3A_25 = arith.constant 5 : i32
    %scan3A_26 = arith.addi %scan3A_24, %scan3A_25 : i32
    %scan3A_27 = arith.constant 1 : i32
    scf.for %scan3A_29 = %scan3A_24 to %scan3A_26 step %scan3A_27  : i32 {
      %mul3A = arith.constant 1 : i32
      %mul3A_30 = arith.muli %scan3A_29, %mul3A : i32
      %add3A = arith.constant 0 : i32
      %add3A_31 = arith.addi %add3A, %mul3A_30 : i32
      %mul3A_32 = arith.constant 320 : i32
      %mul3A_33 = arith.muli %arg1, %mul3A_32 : i32
      %mul3A_34 = arith.constant 64 : i32
      %mul3A_35 = arith.muli %add3A_31, %mul3A_34 : i32
      %add3A_36 = arith.addi %mul3A_33, %mul3A_35 : i32
      %mul3A_37 = arith.constant 5120 : i32
      %mul3A_38 = arith.muli %arg0, %mul3A_37 : i32
      %add3A_39 = arith.addi %mul3A_38, %add3A_36 : i32
      "tpu.region"() ({
        %run_scoped3A = tpu.sem_alloc : memref<!tpu.dma_semaphore, #tpu.memory_space<semaphore_mem>>
        %dma_start3A = arith.constant 0 : i32
        %dma_start3A_45 = tpu.memref_slice %arg16[%add3A_36, %dma_start3A] : memref<5120x128xf32, #tpu.memory_space<vmem_shared>> -> memref<64x128xf32, #tpu.memory_space<vmem_shared>>
        %dma_start3A_46 = arith.constant 0 : i32
        %dma_start3A_47 = tpu.memref_slice %arg16[%add3A_36, %dma_start3A_46] : memref<5120x128xf32, #tpu.memory_space<vmem_shared>> -> memref<64x128xf32, #tpu.memory_space<vmem_shared>>
        tpu.enqueue_dma source(%dma_start3A_47 : memref<64x128xf32, #tpu.memory_space<vmem_shared>>) target(%arg12 : memref<64x128xf32, #tpu.memory_space<vmem>>) target_semaphore(%run_scoped3A : memref<!tpu.dma_semaphore, #tpu.memory_space<semaphore_mem>>)
        %dma_wait3A = arith.constant 0 : i32
        %dma_wait3A_48 = tpu.memref_slice %arg16[%add3A_36, %dma_wait3A] : memref<5120x128xf32, #tpu.memory_space<vmem_shared>> -> memref<64x128xf32, #tpu.memory_space<vmem_shared>>
        %dma_wait3A_49 = arith.constant 0 : i32
        %dma_wait3A_50 = tpu.memref_slice %arg16[%add3A_36, %dma_wait3A_49] : memref<5120x128xf32, #tpu.memory_space<vmem_shared>> -> memref<64x128xf32, #tpu.memory_space<vmem_shared>>
        tpu.wait_dma2 semaphore(%run_scoped3A : memref<!tpu.dma_semaphore, #tpu.memory_space<semaphore_mem>>) src(%dma_wait3A_50 : memref<64x128xf32, #tpu.memory_space<vmem_shared>>) dst(%arg12 : memref<64x128xf32, #tpu.memory_space<vmem>>)
        tpu.yield
      }) : () -> ()
      "tpu.region"() ({
        %run_scoped3A = tpu.sem_alloc : memref<!tpu.dma_semaphore, #tpu.memory_space<semaphore_mem>>
        %dma_start3A = arith.constant 0 : i32
        %dma_start3A_45 = tpu.memref_slice %arg3[%add3A_39, %dma_start3A] : memref<10240x128xf32, #tpu.memory_space<hbm>> -> memref<64x128xf32, #tpu.memory_space<hbm>>
        %dma_start3A_46 = arith.constant 0 : i32
        %dma_start3A_47 = tpu.memref_slice %arg3[%add3A_39, %dma_start3A_46] : memref<10240x128xf32, #tpu.memory_space<hbm>> -> memref<64x128xf32, #tpu.memory_space<hbm>>
        tpu.enqueue_dma source(%dma_start3A_47 : memref<64x128xf32, #tpu.memory_space<hbm>>) target(%arg13 : memref<64x128xf32, #tpu.memory_space<vmem>>) target_semaphore(%run_scoped3A : memref<!tpu.dma_semaphore, #tpu.memory_space<semaphore_mem>>)
        %dma_wait3A = arith.constant 0 : i32
        %dma_wait3A_48 = tpu.memref_slice %arg3[%add3A_39, %dma_wait3A] : memref<10240x128xf32, #tpu.memory_space<hbm>> -> memref<64x128xf32, #tpu.memory_space<hbm>>
        %dma_wait3A_49 = arith.constant 0 : i32
        %dma_wait3A_50 = tpu.memref_slice %arg3[%add3A_39, %dma_wait3A_49] : memref<10240x128xf32, #tpu.memory_space<hbm>> -> memref<64x128xf32, #tpu.memory_space<hbm>>
        tpu.wait_dma2 semaphore(%run_scoped3A : memref<!tpu.dma_semaphore, #tpu.memory_space<semaphore_mem>>) src(%dma_wait3A_50 : memref<64x128xf32, #tpu.memory_space<hbm>>) dst(%arg13 : memref<64x128xf32, #tpu.memory_space<vmem>>)
        tpu.yield
      }) : () -> ()
      %scan3A_40 = arith.constant 0 : i32
      %scan3A_41 = arith.constant 64 : i32
      %scan3A_42 = arith.addi %scan3A_40, %scan3A_41 : i32
      %scan3A_43 = arith.constant 1 : i32
      scf.for %scan3A_45 = %scan3A_40 to %scan3A_42 step %scan3A_43  : i32 {
        %mul3A_46 = arith.constant 1 : i32
        %mul3A_47 = arith.muli %scan3A_45, %mul3A_46 : i32
        %add3A_48 = arith.constant 0 : i32
        %add3A_49 = arith.addi %add3A_48, %mul3A_47 : i32
        %scan3A_50 = arith.constant 0 : i32
        %scan3A_51 = arith.constant 8 : i32
        %scan3A_52 = arith.addi %scan3A_50, %scan3A_51 : i32
        %scan3A_53 = arith.constant 1 : i32
        scf.for %scan3A_55 = %scan3A_50 to %scan3A_52 step %scan3A_53  : i32 {
          %mul3A_56 = arith.constant 1 : i32
          %mul3A_57 = arith.muli %scan3A_55, %mul3A_56 : i32
          %add3A_58 = arith.constant 0 : i32
          %add3A_59 = arith.addi %add3A_58, %mul3A_57 : i32
          %mul3A_60 = arith.constant 16 : i32
          %mul3A_61 = arith.muli %add3A_59, %mul3A_60 : i32
          %get3A = arith.index_cast %add3A_49 : i32 to index
          %get3A_62 = arith.index_cast %mul3A_61 : i32 to index
          %get3A_63 = tpu.vector_load %arg13[%get3A, %get3A_62] {strides = array<i32>} : memref<64x128xf32, #tpu.memory_space<vmem>>, vector<1x16xf32>,
          %get3A_64 = vector.shape_cast %get3A_63 : vector<1x16xf32> to vector<16xf32>
          %get3A_65 = arith.index_cast %add3A_49 : i32 to index
          %get3A_66 = arith.index_cast %mul3A_61 : i32 to index
          %get3A_67 = tpu.vector_load %arg12[%get3A_65, %get3A_66] {strides = array<i32>} : memref<64x128xf32, #tpu.memory_space<vmem>>, vector<1x16xf32>,
          %get3A_68 = vector.shape_cast %get3A_67 : vector<1x16xf32> to vector<16xf32>
          %mul3A_69 = arith.mulf %get3A_64, %get3A_68 : vector<16xf32>
          %swap3A = arith.index_cast %add3A_49 : i32 to index
          %swap3A_70 = arith.index_cast %mul3A_61 : i32 to index
          %swap3A_71 = tpu.vector_load %arg14[%swap3A, %swap3A_70] {strides = array<i32>} : memref<64x128xf32, #tpu.memory_space<vmem>>, vector<1x16xf32>,
          %swap3A_72 = vector.shape_cast %swap3A_71 : vector<1x16xf32> to vector<16xf32>
          %swap3A_73 = vector.shape_cast %mul3A_69 : vector<16xf32> to vector<1x16xf32>
          tpu.vector_store %arg14[%swap3A, %swap3A_70], %swap3A_73 {strides = array<i32>} : memref<64x128xf32, #tpu.memory_space<vmem>>, vector<1x16xf32>,
        }
        %scan3A_54 = arith.constant 8 : i32
      }
      %scan3A_44 = arith.constant 64 : i32
      "tpu.region"() ({
        %run_scoped3A = tpu.sem_alloc : memref<!tpu.dma_semaphore, #tpu.memory_space<semaphore_mem>>
        %dma_start3A = arith.constant 0 : i32
        %dma_start3A_45 = tpu.memref_slice %arg8[%add3A_39, %dma_start3A] : memref<10240x128xf32, #tpu.memory_space<hbm>> -> memref<64x128xf32, #tpu.memory_space<hbm>>
        %dma_start3A_46 = arith.constant 0 : i32
        %dma_start3A_47 = tpu.memref_slice %arg8[%add3A_39, %dma_start3A_46] : memref<10240x128xf32, #tpu.memory_space<hbm>> -> memref<64x128xf32, #tpu.memory_space<hbm>>
        tpu.enqueue_dma source(%arg14 : memref<64x128xf32, #tpu.memory_space<vmem>>) target(%dma_start3A_47 : memref<64x128xf32, #tpu.memory_space<hbm>>) target_semaphore(%run_scoped3A : memref<!tpu.dma_semaphore, #tpu.memory_space<semaphore_mem>>)
        %dma_wait3A = arith.constant 0 : i32
        %dma_wait3A_48 = tpu.memref_slice %arg8[%add3A_39, %dma_wait3A] : memref<10240x128xf32, #tpu.memory_space<hbm>> -> memref<64x128xf32, #tpu.memory_space<hbm>>
        %dma_wait3A_49 = arith.constant 0 : i32
        %dma_wait3A_50 = tpu.memref_slice %arg8[%add3A_39, %dma_wait3A_49] : memref<10240x128xf32, #tpu.memory_space<hbm>> -> memref<64x128xf32, #tpu.memory_space<hbm>>
        tpu.wait_dma2 semaphore(%run_scoped3A : memref<!tpu.dma_semaphore, #tpu.memory_space<semaphore_mem>>) src(%arg14 : memref<64x128xf32, #tpu.memory_space<vmem>>) dst(%dma_wait3A_50 : memref<64x128xf32, #tpu.memory_space<hbm>>)
        tpu.yield
      }) : () -> ()
    }
    %scan3A_28 = arith.constant 5 : i32
    return
  }
}

#map = affine_map<(d0, d1) -> (0, 0, 0)>
#map1 = affine_map<(d0, d1) -> (0)>
module attributes {stable_mosaic.version = 14 : i64} {
  func.func @_deg_kernel(%arg0: i32, %arg1: i32, %arg2: memref<32x79x128xi32, #tpu.memory_space<hbm>>, %arg3: memref<128xf32, #tpu.memory_space<hbm>>, %arg4: memref<640xf32, #tpu.memory_space<hbm>>, %arg5: memref<20480xf32, #tpu.memory_space<hbm>>, %arg6: memref<79x128xi32, #tpu.memory_space<vmem>>, %arg7: memref<128xf32, #tpu.memory_space<vmem>>, %arg8: memref<640xf32, #tpu.memory_space<vmem>>, %arg9: memref<10240xf32, #tpu.memory_space<vmem_shared>>) attributes {dimension_semantics = [#tpu.dimension_semantics<core_parallel>, #tpu.dimension_semantics<subcore_parallel>], iteration_bounds = array<i64: 2, 16>, scalar_prefetch = 0 : i64, scratch_operands = 4 : i64, tpu.core_type = #tpu.core_type<sc_vector_subcore>, window_params = [{transform_indices = #map}, {transform_indices = #map1}, {transform_indices = #map1}, {transform_indices = #map1}]} {
    %mul3A = arith.constant 2 : i32
    %mul3A_0 = arith.muli %arg1, %mul3A : i32
    %add3A = arith.addi %mul3A_0, %arg0 : i32
    "tpu.region"() ({
      %run_scoped3A = tpu.sem_alloc : memref<!tpu.dma_semaphore, #tpu.memory_space<semaphore_mem>>
      %dma_start3A = arith.constant 0 : i32
      %dma_start3A_15 = arith.constant 0 : i32
      %dma_start3A_16 = tpu.memref_slice %arg2[%add3A, %dma_start3A, %dma_start3A_15] : memref<32x79x128xi32, #tpu.memory_space<hbm>> -> memref<1x79x128xi32, #tpu.memory_space<hbm>>
      %dma_start3A_17 = tpu.memref_squeeze %dma_start3A_16 : memref<1x79x128xi32, #tpu.memory_space<hbm>> -> memref<79x128xi32, #tpu.memory_space<hbm>>
      %dma_start3A_18 = arith.constant 0 : i32
      %dma_start3A_19 = arith.constant 0 : i32
      %dma_start3A_20 = tpu.memref_slice %arg2[%add3A, %dma_start3A_18, %dma_start3A_19] : memref<32x79x128xi32, #tpu.memory_space<hbm>> -> memref<1x79x128xi32, #tpu.memory_space<hbm>>
      %dma_start3A_21 = tpu.memref_squeeze %dma_start3A_20 : memref<1x79x128xi32, #tpu.memory_space<hbm>> -> memref<79x128xi32, #tpu.memory_space<hbm>>
      tpu.enqueue_dma source(%dma_start3A_21 : memref<79x128xi32, #tpu.memory_space<hbm>>) target(%arg6 : memref<79x128xi32, #tpu.memory_space<vmem>>) target_semaphore(%run_scoped3A : memref<!tpu.dma_semaphore, #tpu.memory_space<semaphore_mem>>)
      %dma_wait3A = arith.constant 0 : i32
      %dma_wait3A_22 = arith.constant 0 : i32
      %dma_wait3A_23 = tpu.memref_slice %arg2[%add3A, %dma_wait3A, %dma_wait3A_22] : memref<32x79x128xi32, #tpu.memory_space<hbm>> -> memref<1x79x128xi32, #tpu.memory_space<hbm>>
      %dma_wait3A_24 = tpu.memref_squeeze %dma_wait3A_23 : memref<1x79x128xi32, #tpu.memory_space<hbm>> -> memref<79x128xi32, #tpu.memory_space<hbm>>
      %dma_wait3A_25 = arith.constant 0 : i32
      %dma_wait3A_26 = arith.constant 0 : i32
      %dma_wait3A_27 = tpu.memref_slice %arg2[%add3A, %dma_wait3A_25, %dma_wait3A_26] : memref<32x79x128xi32, #tpu.memory_space<hbm>> -> memref<1x79x128xi32, #tpu.memory_space<hbm>>
      %dma_wait3A_28 = tpu.memref_squeeze %dma_wait3A_27 : memref<1x79x128xi32, #tpu.memory_space<hbm>> -> memref<79x128xi32, #tpu.memory_space<hbm>>
      tpu.wait_dma2 semaphore(%run_scoped3A : memref<!tpu.dma_semaphore, #tpu.memory_space<semaphore_mem>>) src(%dma_wait3A_28 : memref<79x128xi32, #tpu.memory_space<hbm>>) dst(%arg6 : memref<79x128xi32, #tpu.memory_space<vmem>>)
      tpu.yield
    }) : () -> ()
    "tpu.region"() ({
      %run_scoped3A = tpu.sem_alloc : memref<!tpu.dma_semaphore, #tpu.memory_space<semaphore_mem>>
      tpu.enqueue_dma source(%arg3 : memref<128xf32, #tpu.memory_space<hbm>>) target(%arg7 : memref<128xf32, #tpu.memory_space<vmem>>) target_semaphore(%run_scoped3A : memref<!tpu.dma_semaphore, #tpu.memory_space<semaphore_mem>>)
      tpu.wait_dma2 semaphore(%run_scoped3A : memref<!tpu.dma_semaphore, #tpu.memory_space<semaphore_mem>>) src(%arg3 : memref<128xf32, #tpu.memory_space<hbm>>) dst(%arg7 : memref<128xf32, #tpu.memory_space<vmem>>)
      tpu.yield
    }) : () -> ()
    "tpu.region"() ({
      %run_scoped3A = tpu.sem_alloc : memref<!tpu.dma_semaphore, #tpu.memory_space<semaphore_mem>>
      tpu.enqueue_dma source(%arg4 : memref<640xf32, #tpu.memory_space<hbm>>) target(%arg8 : memref<640xf32, #tpu.memory_space<vmem>>) target_semaphore(%run_scoped3A : memref<!tpu.dma_semaphore, #tpu.memory_space<semaphore_mem>>)
      tpu.wait_dma2 semaphore(%run_scoped3A : memref<!tpu.dma_semaphore, #tpu.memory_space<semaphore_mem>>) src(%arg4 : memref<640xf32, #tpu.memory_space<hbm>>) dst(%arg8 : memref<640xf32, #tpu.memory_space<vmem>>)
      tpu.yield
    }) : () -> ()
    %mul3A_1 = arith.constant 640 : i32
    %mul3A_2 = arith.muli %arg1, %mul3A_1 : i32
    "tpu.region"() ({
      %run_scoped3A = tpu.sem_alloc : memref<!tpu.dma_semaphore, #tpu.memory_space<semaphore_mem>>
      %dma_start3A = tpu.memref_slice %arg9[%mul3A_2] : memref<10240xf32, #tpu.memory_space<vmem_shared>> -> memref<640xf32, #tpu.memory_space<vmem_shared>>
      %dma_start3A_15 = tpu.memref_slice %arg9[%mul3A_2] : memref<10240xf32, #tpu.memory_space<vmem_shared>> -> memref<640xf32, #tpu.memory_space<vmem_shared>>
      tpu.enqueue_dma source(%arg8 : memref<640xf32, #tpu.memory_space<vmem>>) target(%dma_start3A_15 : memref<640xf32, #tpu.memory_space<vmem_shared>>) target_semaphore(%run_scoped3A : memref<!tpu.dma_semaphore, #tpu.memory_space<semaphore_mem>>)
      %dma_wait3A = tpu.memref_slice %arg9[%mul3A_2] : memref<10240xf32, #tpu.memory_space<vmem_shared>> -> memref<640xf32, #tpu.memory_space<vmem_shared>>
      %dma_wait3A_16 = tpu.memref_slice %arg9[%mul3A_2] : memref<10240xf32, #tpu.memory_space<vmem_shared>> -> memref<640xf32, #tpu.memory_space<vmem_shared>>
      tpu.wait_dma2 semaphore(%run_scoped3A : memref<!tpu.dma_semaphore, #tpu.memory_space<semaphore_mem>>) src(%arg8 : memref<640xf32, #tpu.memory_space<vmem>>) dst(%dma_wait3A_16 : memref<640xf32, #tpu.memory_space<vmem_shared>>)
      tpu.yield
    }) : () -> ()
    %barrier3A = arith.constant 0 : index
    tpu.barrier barrier_id(%barrier3A)
    %scan3A = arith.constant 0 : i32
    %scan3A_3 = arith.constant 79 : i32
    %scan3A_4 = arith.addi %scan3A, %scan3A_3 : i32
    %scan3A_5 = arith.constant 1 : i32
    scf.for %scan3A_15 = %scan3A to %scan3A_4 step %scan3A_5  : i32 {
      %mul3A_16 = arith.constant 1 : i32
      %mul3A_17 = arith.muli %scan3A_15, %mul3A_16 : i32
      %add3A_18 = arith.constant 0 : i32
      %add3A_19 = arith.addi %add3A_18, %mul3A_17 : i32
      "tpu.region"() ({
        %run_scoped3A = tpu.sem_alloc : memref<!tpu.dma_semaphore, #tpu.memory_space<semaphore_mem>>
        %dma_start3A = arith.constant 0 : i32
        %dma_start3A_20 = tpu.memref_slice %arg6[%add3A_19, %dma_start3A] : memref<79x128xi32, #tpu.memory_space<vmem>> -> memref<1x128xi32, #tpu.memory_space<vmem>>
        %dma_start3A_21 = tpu.memref_squeeze %dma_start3A_20 : memref<1x128xi32, #tpu.memory_space<vmem>> -> memref<128xi32, #tpu.memory_space<vmem>>
        %dma_start3A_22 = arith.constant 0 : i32
        %dma_start3A_23 = tpu.memref_slice %arg9[%dma_start3A_22] : memref<10240xf32, #tpu.memory_space<vmem_shared>> -> memref<10240xf32, #tpu.memory_space<vmem_shared>>
        tpu.enqueue_indirect_dma source(%arg7 : memref<128xf32, #tpu.memory_space<vmem>>) target(%dma_start3A_23 : memref<10240xf32, #tpu.memory_space<vmem_shared>>) offsets(%dma_start3A_21 : memref<128xi32, #tpu.memory_space<vmem>>) semaphore(%run_scoped3A : memref<!tpu.dma_semaphore, #tpu.memory_space<semaphore_mem>>) {add = true}
        %dma_wait3A = arith.constant 0 : i32
        %dma_wait3A_24 = tpu.memref_slice %arg6[%add3A_19, %dma_wait3A] : memref<79x128xi32, #tpu.memory_space<vmem>> -> memref<1x128xi32, #tpu.memory_space<vmem>>
        %dma_wait3A_25 = tpu.memref_squeeze %dma_wait3A_24 : memref<1x128xi32, #tpu.memory_space<vmem>> -> memref<128xi32, #tpu.memory_space<vmem>>
        %dma_wait3A_26 = arith.constant 0 : i32
        %dma_wait3A_27 = tpu.memref_slice %arg9[%dma_wait3A_26] : memref<10240xf32, #tpu.memory_space<vmem_shared>> -> memref<10240xf32, #tpu.memory_space<vmem_shared>>
        tpu.wait_indirect_dma semaphore(%run_scoped3A : memref<!tpu.dma_semaphore, #tpu.memory_space<semaphore_mem>>) src(%arg7 : memref<128xf32, #tpu.memory_space<vmem>>) dst(%dma_wait3A_27 : memref<10240xf32, #tpu.memory_space<vmem_shared>>)
        tpu.yield
      }) : () -> ()
    }
    %scan3A_6 = arith.constant 79 : i32
    %barrier3A_7 = arith.constant 0 : index
    tpu.barrier barrier_id(%barrier3A_7)
    %mul3A_8 = arith.constant 640 : i32
    %mul3A_9 = arith.muli %arg1, %mul3A_8 : i32
    "tpu.region"() ({
      %run_scoped3A = tpu.sem_alloc : memref<!tpu.dma_semaphore, #tpu.memory_space<semaphore_mem>>
      %dma_start3A = tpu.memref_slice %arg9[%mul3A_9] : memref<10240xf32, #tpu.memory_space<vmem_shared>> -> memref<640xf32, #tpu.memory_space<vmem_shared>>
      %dma_start3A_15 = tpu.memref_slice %arg9[%mul3A_9] : memref<10240xf32, #tpu.memory_space<vmem_shared>> -> memref<640xf32, #tpu.memory_space<vmem_shared>>
      tpu.enqueue_dma source(%dma_start3A_15 : memref<640xf32, #tpu.memory_space<vmem_shared>>) target(%arg8 : memref<640xf32, #tpu.memory_space<vmem>>) target_semaphore(%run_scoped3A : memref<!tpu.dma_semaphore, #tpu.memory_space<semaphore_mem>>)
      %dma_wait3A = tpu.memref_slice %arg9[%mul3A_9] : memref<10240xf32, #tpu.memory_space<vmem_shared>> -> memref<640xf32, #tpu.memory_space<vmem_shared>>
      %dma_wait3A_16 = tpu.memref_slice %arg9[%mul3A_9] : memref<10240xf32, #tpu.memory_space<vmem_shared>> -> memref<640xf32, #tpu.memory_space<vmem_shared>>
      tpu.wait_dma2 semaphore(%run_scoped3A : memref<!tpu.dma_semaphore, #tpu.memory_space<semaphore_mem>>) src(%dma_wait3A_16 : memref<640xf32, #tpu.memory_space<vmem_shared>>) dst(%arg8 : memref<640xf32, #tpu.memory_space<vmem>>)
      tpu.yield
    }) : () -> ()
    %mul3A_10 = arith.constant 10240 : i32
    %mul3A_11 = arith.muli %arg0, %mul3A_10 : i32
    %mul3A_12 = arith.constant 640 : i32
    %mul3A_13 = arith.muli %arg1, %mul3A_12 : i32
    %add3A_14 = arith.addi %mul3A_11, %mul3A_13 : i32
    "tpu.region"() ({
      %run_scoped3A = tpu.sem_alloc : memref<!tpu.dma_semaphore, #tpu.memory_space<semaphore_mem>>
      %dma_start3A = tpu.memref_slice %arg5[%add3A_14] : memref<20480xf32, #tpu.memory_space<hbm>> -> memref<640xf32, #tpu.memory_space<hbm>>
      %dma_start3A_15 = tpu.memref_slice %arg5[%add3A_14] : memref<20480xf32, #tpu.memory_space<hbm>> -> memref<640xf32, #tpu.memory_space<hbm>>
      tpu.enqueue_dma source(%arg8 : memref<640xf32, #tpu.memory_space<vmem>>) target(%dma_start3A_15 : memref<640xf32, #tpu.memory_space<hbm>>) target_semaphore(%run_scoped3A : memref<!tpu.dma_semaphore, #tpu.memory_space<semaphore_mem>>)
      %dma_wait3A = tpu.memref_slice %arg5[%add3A_14] : memref<20480xf32, #tpu.memory_space<hbm>> -> memref<640xf32, #tpu.memory_space<hbm>>
      %dma_wait3A_16 = tpu.memref_slice %arg5[%add3A_14] : memref<20480xf32, #tpu.memory_space<hbm>> -> memref<640xf32, #tpu.memory_space<hbm>>
      tpu.wait_dma2 semaphore(%run_scoped3A : memref<!tpu.dma_semaphore, #tpu.memory_space<semaphore_mem>>) src(%arg8 : memref<640xf32, #tpu.memory_space<vmem>>) dst(%dma_wait3A_16 : memref<640xf32, #tpu.memory_space<hbm>>)
      tpu.yield
    }) : () -> ()
    return
  }
}

module attributes {stable_mosaic.version = 14 : i64} {
  func.func @_lin1_body(%arg0: i32, %arg1: memref<1024x128xf32, #tpu.memory_space<vmem>>, %arg2: memref<128x128xf32, #tpu.memory_space<vmem>>, %arg3: memref<2x1024x8xf32, #tpu.memory_space<vmem>>, %arg4: memref<1024x128xf32, #tpu.memory_space<vmem>>, %arg5: memref<1024x128xf32, #tpu.memory_space<vmem>>) attributes {dimension_semantics = [#tpu.dimension_semantics<arbitrary>], iteration_bounds = array<i64: 10>, scalar_prefetch = 0 : i64, scratch_operands = 0 : i64, tpu.core_type = #tpu.core_type<tc>, window_params = [{transform_indices = @transform_0, window_bounds = array<i64: 1024, 128>}, {pipeline_mode = #tpu.pipeline_mode<synchronous>, transform_indices = @transform_1, window_bounds = array<i64: 128, 128>}, {transform_indices = @transform_2, window_bounds = array<i64: 2, 1024, 8>}, {transform_indices = @transform_3, window_bounds = array<i64: 1024, 128>}, {transform_indices = @transform_4, window_bounds = array<i64: 1024, 128>}]} {
    %get3A = arith.constant 0 : index
    %get3A_0 = arith.constant 0 : index
    %get3A_1 = arith.constant 0 : index
    %get3A_2 = vector.load %arg3[%get3A, %get3A_0, %get3A_1] : memref<2x1024x8xf32, #tpu.memory_space<vmem>>, vector<1x1024x1xf32>
    %get3A_3 = vector.shape_cast %get3A_2 : vector<1x1024x1xf32> to vector<1024x1xf32>
    %get3A_4 = arith.constant 1 : index
    %get3A_5 = arith.constant 0 : index
    %get3A_6 = arith.constant 0 : index
    %get3A_7 = vector.load %arg3[%get3A_4, %get3A_5, %get3A_6] : memref<2x1024x8xf32, #tpu.memory_space<vmem>>, vector<1x1024x1xf32>
    %get3A_8 = vector.shape_cast %get3A_7 : vector<1x1024x1xf32> to vector<1024x1xf32>
    %add3A = arith.addf %get3A_3, %get3A_8 : vector<1024x1xf32>
    %add3A_9 = arith.constant 1.000000e+00 : f32
    %add3A_10 = vector.broadcast %add3A_9 : f32 to vector<1024x1xf32>
    %add3A_11 = arith.addf %add3A, %add3A_10 : vector<1024x1xf32>
    %rsqrt3A = math.rsqrt %add3A_11 : vector<1024x1xf32>
    %get3A_12 = arith.constant 0 : index
    %get3A_13 = arith.constant 0 : index
    %get3A_14 = vector.load %arg1[%get3A_12, %get3A_13] : memref<1024x128xf32, #tpu.memory_space<vmem>>, vector<1024x128xf32>
    %get3A_15 = arith.constant 0 : index
    %get3A_16 = arith.constant 0 : index
    %get3A_17 = vector.load %arg2[%get3A_15, %get3A_16] : memref<128x128xf32, #tpu.memory_space<vmem>>, vector<128x128xf32>
    %dot_general3A = arith.constant dense<0.000000e+00> : vector<1024x128xf32>
    %dot_general3A_18 = tpu.matmul %get3A_14, %get3A_17, %dot_general3A {dimension_numbers = #tpu.dot_dimension_numbers<[1], [0], [0], [1], [0, 0, 1, 1], [], []>, transpose_lhs_hint = false} : vector<1024x128xf32>, vector<128x128xf32>, vector<1024x128xf32> -> vector<1024x128xf32>
    %mul3A = vector.broadcast %rsqrt3A : vector<1024x1xf32> to vector<1024x128xf32>
    %mul3A_19 = arith.mulf %dot_general3A_18, %mul3A : vector<1024x128xf32>
    %swap3A = arith.constant 0 : index
    %swap3A_20 = arith.constant 0 : index
    %swap3A_21 = vector.load %arg4[%swap3A, %swap3A_20] : memref<1024x128xf32, #tpu.memory_space<vmem>>, vector<1024x128xf32>
    tpu.vector_store %arg4[%swap3A, %swap3A_20], %mul3A_19 {strides = array<i32>} : memref<1024x128xf32, #tpu.memory_space<vmem>>, vector<1024x128xf32>,
    %broadcast_in_dim3A = vector.shape_cast %rsqrt3A : vector<1024x1xf32> to vector<1024x1xf32>
    %broadcast_in_dim3A_22 = vector.broadcast %broadcast_in_dim3A : vector<1024x1xf32> to vector<1024x128xf32>
    %swap3A_23 = arith.constant 0 : index
    %swap3A_24 = arith.constant 0 : index
    %swap3A_25 = vector.load %arg5[%swap3A_23, %swap3A_24] : memref<1024x128xf32, #tpu.memory_space<vmem>>, vector<1024x128xf32>
    tpu.vector_store %arg5[%swap3A_23, %swap3A_24], %broadcast_in_dim3A_22 {strides = array<i32>} : memref<1024x128xf32, #tpu.memory_space<vmem>>, vector<1024x128xf32>,
    return
  }
  func.func @transform_0(%arg0: i32) -> (i32, i32) {
    %c0_i32 = arith.constant 0 : i32
    %c0_i32_0 = arith.constant 0 : i32
    return %arg0, %c0_i32 : i32, i32
  }
  func.func @transform_1(%arg0: i32) -> (i32, i32) {
    %c0_i32 = arith.constant 0 : i32
    %c0_i32_0 = arith.constant 0 : i32
    %c0_i32_1 = arith.constant 0 : i32
    return %c0_i32, %c0_i32_0 : i32, i32
  }
  func.func @transform_2(%arg0: i32) -> (i32, i32, i32) {
    %c0_i32 = arith.constant 0 : i32
    %c0_i32_0 = arith.constant 0 : i32
    %c0_i32_1 = arith.constant 0 : i32
    return %c0_i32, %arg0, %c0_i32_0 : i32, i32, i32
  }
  func.func @transform_3(%arg0: i32) -> (i32, i32) {
    %c0_i32 = arith.constant 0 : i32
    %c0_i32_0 = arith.constant 0 : i32
    return %arg0, %c0_i32 : i32, i32
  }
  func.func @transform_4(%arg0: i32) -> (i32, i32) {
    %c0_i32 = arith.constant 0 : i32
    %c0_i32_0 = arith.constant 0 : i32
    return %arg0, %c0_i32 : i32, i32
  }
}

module attributes {stable_mosaic.version = 14 : i64} {
  func.func @_out_body(%arg0: i32, %arg1: memref<1024x128xf32, #tpu.memory_space<vmem>>, %arg2: memref<128x64xf32, #tpu.memory_space<vmem>>, %arg3: memref<128x64xf32, #tpu.memory_space<vmem>>, %arg4: memref<1x64xf32, #tpu.memory_space<vmem>>, %arg5: memref<1x64xf32, #tpu.memory_space<vmem>>, %arg6: memref<1024x64xf32, #tpu.memory_space<vmem>>, %arg7: memref<1024x64xf32, #tpu.memory_space<vmem>>) attributes {dimension_semantics = [#tpu.dimension_semantics<arbitrary>], iteration_bounds = array<i64: 10>, scalar_prefetch = 0 : i64, scratch_operands = 0 : i64, tpu.core_type = #tpu.core_type<tc>, window_params = [{transform_indices = @transform_0, window_bounds = array<i64: 1024, 128>}, {pipeline_mode = #tpu.pipeline_mode<synchronous>, transform_indices = @transform_1, window_bounds = array<i64: 128, 64>}, {pipeline_mode = #tpu.pipeline_mode<synchronous>, transform_indices = @transform_2, window_bounds = array<i64: 128, 64>}, {pipeline_mode = #tpu.pipeline_mode<synchronous>, transform_indices = @transform_3, window_bounds = array<i64: 1, 64>}, {pipeline_mode = #tpu.pipeline_mode<synchronous>, transform_indices = @transform_4, window_bounds = array<i64: 1, 64>}, {transform_indices = @transform_5, window_bounds = array<i64: 1024, 64>}, {transform_indices = @transform_6, window_bounds = array<i64: 1024, 64>}]} {
    %get3A = arith.constant 0 : index
    %get3A_0 = arith.constant 0 : index
    %get3A_1 = vector.load %arg1[%get3A, %get3A_0] : memref<1024x128xf32, #tpu.memory_space<vmem>>, vector<1024x128xf32>
    %get3A_2 = arith.constant 0 : index
    %get3A_3 = arith.constant 0 : index
    %get3A_4 = vector.load %arg2[%get3A_2, %get3A_3] : memref<128x64xf32, #tpu.memory_space<vmem>>, vector<128x64xf32>
    %dot_general3A = arith.constant dense<0.000000e+00> : vector<1024x64xf32>
    %dot_general3A_5 = tpu.matmul %get3A_1, %get3A_4, %dot_general3A {dimension_numbers = #tpu.dot_dimension_numbers<[1], [0], [0], [1], [0, 0, 1, 1], [], []>, transpose_lhs_hint = false} : vector<1024x128xf32>, vector<128x64xf32>, vector<1024x64xf32> -> vector<1024x64xf32>
    %get3A_6 = arith.constant 0 : index
    %get3A_7 = arith.constant 0 : index
    %get3A_8 = vector.load %arg4[%get3A_6, %get3A_7] : memref<1x64xf32, #tpu.memory_space<vmem>>, vector<1x64xf32>
    %add3A = vector.broadcast %get3A_8 : vector<1x64xf32> to vector<1024x64xf32>
    %add3A_9 = arith.addf %dot_general3A_5, %add3A : vector<1024x64xf32>
    %swap3A = arith.constant 0 : index
    %swap3A_10 = arith.constant 0 : index
    %swap3A_11 = vector.load %arg6[%swap3A, %swap3A_10] : memref<1024x64xf32, #tpu.memory_space<vmem>>, vector<1024x64xf32>
    tpu.vector_store %arg6[%swap3A, %swap3A_10], %add3A_9 {strides = array<i32>} : memref<1024x64xf32, #tpu.memory_space<vmem>>, vector<1024x64xf32>,
    %get3A_12 = arith.constant 0 : index
    %get3A_13 = arith.constant 0 : index
    %get3A_14 = vector.load %arg3[%get3A_12, %get3A_13] : memref<128x64xf32, #tpu.memory_space<vmem>>, vector<128x64xf32>
    %dot_general3A_15 = arith.constant dense<0.000000e+00> : vector<1024x64xf32>
    %dot_general3A_16 = tpu.matmul %get3A_1, %get3A_14, %dot_general3A_15 {dimension_numbers = #tpu.dot_dimension_numbers<[1], [0], [0], [1], [0, 0, 1, 1], [], []>, transpose_lhs_hint = false} : vector<1024x128xf32>, vector<128x64xf32>, vector<1024x64xf32> -> vector<1024x64xf32>
    %get3A_17 = arith.constant 0 : index
    %get3A_18 = arith.constant 0 : index
    %get3A_19 = vector.load %arg5[%get3A_17, %get3A_18] : memref<1x64xf32, #tpu.memory_space<vmem>>, vector<1x64xf32>
    %add3A_20 = vector.broadcast %get3A_19 : vector<1x64xf32> to vector<1024x64xf32>
    %add3A_21 = arith.addf %dot_general3A_16, %add3A_20 : vector<1024x64xf32>
    %swap3A_22 = arith.constant 0 : index
    %swap3A_23 = arith.constant 0 : index
    %swap3A_24 = vector.load %arg7[%swap3A_22, %swap3A_23] : memref<1024x64xf32, #tpu.memory_space<vmem>>, vector<1024x64xf32>
    tpu.vector_store %arg7[%swap3A_22, %swap3A_23], %add3A_21 {strides = array<i32>} : memref<1024x64xf32, #tpu.memory_space<vmem>>, vector<1024x64xf32>,
    return
  }
  func.func @transform_0(%arg0: i32) -> (i32, i32) {
    %c0_i32 = arith.constant 0 : i32
    %c0_i32_0 = arith.constant 0 : i32
    return %arg0, %c0_i32 : i32, i32
  }
  func.func @transform_1(%arg0: i32) -> (i32, i32) {
    %c0_i32 = arith.constant 0 : i32
    %c0_i32_0 = arith.constant 0 : i32
    %c0_i32_1 = arith.constant 0 : i32
    return %c0_i32, %c0_i32_0 : i32, i32
  }
  func.func @transform_2(%arg0: i32) -> (i32, i32) {
    %c0_i32 = arith.constant 0 : i32
    %c0_i32_0 = arith.constant 0 : i32
    %c0_i32_1 = arith.constant 0 : i32
    return %c0_i32, %c0_i32_0 : i32, i32
  }
  func.func @transform_3(%arg0: i32) -> (i32, i32) {
    %c0_i32 = arith.constant 0 : i32
    %c0_i32_0 = arith.constant 0 : i32
    %c0_i32_1 = arith.constant 0 : i32
    return %c0_i32, %c0_i32_0 : i32, i32
  }
  func.func @transform_4(%arg0: i32) -> (i32, i32) {
    %c0_i32 = arith.constant 0 : i32
    %c0_i32_0 = arith.constant 0 : i32
    %c0_i32_1 = arith.constant 0 : i32
    return %c0_i32, %c0_i32_0 : i32, i32
  }
  func.func @transform_5(%arg0: i32) -> (i32, i32) {
    %c0_i32 = arith.constant 0 : i32
    %c0_i32_0 = arith.constant 0 : i32
    return %arg0, %c0_i32 : i32, i32
  }
  func.func @transform_6(%arg0: i32) -> (i32, i32) {
    %c0_i32 = arith.constant 0 : i32
    %c0_i32_0 = arith.constant 0 : i32
    return %arg0, %c0_i32 : i32, i32
  }
}

</mosaic_0001>

<sc_bundles>
// kernel: kernel.6.cloned.1.call-start
scs
__scs_entry_jumppad:
0x0: {  	(pc) =	sbr.rel $0x88, $3  }
0x1: {  	(tag) =	ssettag $0x0;
	lr =	simm.s32 $0x1  }
0x2: {  	[smem:$0x3F99] =	sst lr;
	_ =	strace $0xD0000000  }
0x3: {  	_ = 	snop  }
0x4: {  	_ = 	snop  }
0x5: {  	_ = 	snop  }
0x6: {  	_ = 	snop  }
0x7: {  	_ = 	snop  }
__scs_overlays_trampoline_lowered:
0x8: {  	[smem:$0x3FA8] =	sst s0  }
0x9: {  	[smem:$0x3FA9] =	sst s1  }
0xa: {  	[smem:$0x3FAA] =	sst s2  }
0xb: {  	[smem:$0x3FAB] =	sst s3  }
0xc: {  	[smem:$0x3FAC] =	sst s4  }
0xd: {  	[smem:$0x3FAD] =	sst s5  }
0xe: {  	[smem:$0x3FAE] =	sst s6  }
0xf: {  	[smem:$0x3FAF] =	sst s7  }
0x10: {  	[smem:$0x3FB0] =	sst s8  }
0x11: {  	[smem:$0x3FB1] =	sst s9;
	s0 =	simm.s32 @!p0 $0x0  }
0x12: {  	s1 =	sld [smem:$0x3F97];
	s0 =	simm.s32 @p0 $0x1  }
0x13: {  	[smem:$0x3FB2] =	sst s0;
	s0 =	simm.s32 @!p1 $0x0  }
0x14: {  	s2 =	sld [smem:$0x3F96];
	s0 =	simm.s32 @p1 $0x1  }
0x15: {  	[smem:$0x3FB3] =	sst s0;
	s0 =	simm.s32 @!p2 $0x0  }
0x16: {  	s3 =	sld [smem:$0x3FDB];
	s0 =	simm.s32 @p2 $0x1  }
0x17: {  	s4 =	simm.s32 $0x1BF5;
	[smem:$0x3FB5] =	sst s0  }
0x18: {  	s0 =	sld [smem:$0x3F98];
	_ =	swait.ge [sflag:s4], $0x0  }
0x19: {  	s7 =	sld [smem:$0x3F99]  }
0x1a: {  	s8 =	sadd.s32 $0xFFFFE003, lr  }
0x1b: {  	s9 =	sadd.s32 $0xFFFFFEF7, lr;
	s5 =	simm.s32 $0xFFFFFFFF;
	p2 =	slt.u32 s8, $0xFFFFF086  }
0x1c: {  	p1 =	slt.u32 s9, $0xF7A;
	s5 =	simm.s32 @!p2 $0x0  }
0x1d: {  	s5 =	simm.s32 @p1 $0x1;
	p0 =	seq.s32 s7, s2  }
0x1e: {  	s7 =	smul.u32 @!p0 $0xF7A, s2;
	p2 =	seq.s32 @!p0 s5, $0x0  }
0x1f: {  	s9 =	smul.u32 $0xF7A, s1;
	s8 =	simm.s32 @!p0 $0x1BF5;
	p2 =	por !p2, p0  }
0x20: {  	[sflag:s8] =	ssyncset.s32 @!p0 $0xFFFFF086;
	s6 =	sadd.s32 @!p0 s3, s7;
	s7 =	simm.s32 @!p0 $0x108  }
0x21: {  	s3 =	sadd.s32 s3, s9;
	s6 =	sadd.s32 @!p0 $0x88, s6;
	s7 =	simm.s32 @p2 $0x1082  }
0x22: {  	[simem:s7], [sflag:s8] =	dma.local @!p0 [hbm:s6], $0xF7A  }
0x23: {  	s9 =	sor.u32 $0xD0000000, s2;
	s6 =	simm.s32 $0x108;
	_ =	swait.ge @!p0 [sflag:s8], $0x0  }
0x24: {  	s3 =	sadd.s32 $0x88, s3;
	s6 =	simm.s32 @!p1 $0x1082;
	[sflag:s4] =	ssyncset.s32 $0xFFFFF086  }
0x25: {  	[simem:s6], [sflag:s4] =	dma.local [hbm:s3], $0xF7A  }
0x26: {  	[smem:$0x3F99] =	sst s1;
	(tag) =	ssettag s2;
	_ =	strace s9  }
0x27: {  	s1 =	sld [smem:$0x3FA9]  }
0x28: {  	s2 =	sld [smem:$0x3FAA]  }
0x29: {  	s4 =	sld [smem:$0x3FAC]  }
0x2a: {  	p0 =	seq.s32 s5, $0x0;
	s5 =	sld [smem:$0x3FAD]  }
0x2b: {  	s6 =	sld [smem:$0x3FAE]  }
0x2c: {  	s7 =	sld [smem:$0x3FAF]  }
0x2d: {  	s3 =	simm.s32 $0x108;
	s8 =	sld [smem:$0x3FB0]  }
0x2e: {  	s3 =	simm.s32 @!p0 $0x1082;
	s9 =	sld [smem:$0x3FB1]  }
0x2f: {  	lr =	sadd.s32 s0, s3;
	s0 =	sld [smem:$0x3FA8]  }
0x30: {  	s3 =	sld [smem:$0x3FAB]  }
0x31: {  	[smem:$0x3FB4] =	sst s10  }
0x32: {  	s10 =	sld [smem:$0x3FB2];
	_ =	sdelay $0x3  }
0x33: {  	p0 =	seq.s32 s10, $0x1;
	s10 =	sld [smem:$0x3FB4];
	_ =	sdelay $0x3  }
0x34: {  	[smem:$0x3FB4] =	sst s10  }
0x35: {  	s10 =	sld [smem:$0x3FB3];
	_ =	sdelay $0x3  }
0x36: {  	p1 =	seq.s32 s10, $0x1;
	s10 =	sld [smem:$0x3FB4];
	_ =	sdelay $0x3  }
0x37: {  	[smem:$0x3FB4] =	sst s10  }
0x38: {  	s10 =	sld [smem:$0x3FB5]  }
0x39: {  	_ = 	snop;
	(pc) =	sbr.ind lr, $3  }
0x3a: {  	_ = 	snop  }
0x3b: {  	_ = 	snop  }
0x3c: {  	p2 =	seq.s32 s10, $0x1;
	s10 =	sld [smem:$0x3FB4]  }
0x3d: {  	_ =	shalt  }
0x3e: {  	_ =	shalt  }
0x3f: {  	_ =	shalt  }
0x40: {  	_ =	shalt  }
0x41: {  	_ =	shalt  }
0x42: {  	_ =	shalt  }
0x43: {  	_ =	shalt  }
0x44: {  	_ =	shalt  }
0x45: {  	_ =	shalt  }
0x46: {  	_ =	shalt  }
0x47: {  	_ =	shalt  }
0x48: {  	_ =	shalt  }
0x49: {  	_ =	shalt  }
0x4a: {  	_ =	shalt  }
0x4b: {  	_ =	shalt  }
0x4c: {  	_ =	shalt  }
0x4d: {  	_ =	shalt  }
0x4e: {  	_ =	shalt  }
0x4f: {  	_ =	shalt  }
0x50: {  	_ =	shalt  }
0x51: {  	_ =	shalt  }
0x52: {  	_ =	shalt  }
0x53: {  	_ =	shalt  }
0x54: {  	_ =	shalt  }
0x55: {  	_ =	shalt  }
0x56: {  	_ =	shalt  }
0x57: {  	_ =	shalt  }
0x58: {  	_ =	shalt  }
0x59: {  	_ =	shalt  }
0x5a: {  	_ =	shalt  }
0x5b: {  	_ =	shalt  }
0x5c: {  	_ =	shalt  }
0x5d: {  	_ =	shalt  }
0x5e: {  	_ =	shalt  }
0x5f: {  	_ =	shalt  }
0x60: {  	_ =	shalt  }
0x61: {  	_ =	shalt  }
0x62: {  	_ =	shalt  }
0x63: {  	_ =	shalt  }
0x64: {  	_ =	shalt  }
0x65: {  	_ =	shalt  }
0x66: {  	_ =	shalt  }
0x67: {  	_ =	shalt  }
0x68: {  	_ =	shalt  }
0x69: {  	_ =	shalt  }
0x6a: {  	_ =	shalt  }
0x6b: {  	_ =	shalt  }
0x6c: {  	_ =	shalt  }
0x6d: {  	_ =	shalt  }
0x6e: {  	_ =	shalt  }
0x6f: {  	_ =	shalt  }
0x70: {  	_ =	shalt  }
0x71: {  	_ =	shalt  }
0x72: {  	_ =	shalt  }
0x73: {  	_ =	shalt  }
0x74: {  	_ =	shalt  }
0x75: {  	_ =	shalt  }
0x76: {  	_ =	shalt  }
0x77: {  	_ =	shalt  }
0x78: {  	_ =	shalt  }
0x79: {  	_ =	shalt  }
0x7a: {  	_ =	shalt  }
0x7b: {  	_ =	shalt  }
0x7c: {  	_ =	shalt  }
0x7d: {  	_ =	shalt  }
0x7e: {  	_ =	shalt  }
0x7f: {  	_ =	shalt  }
0x80: {  	_ =	shalt  }
0x81: {  	_ =	shalt  }
0x82: {  	_ =	shalt  }
0x83: {  	_ =	shalt  }
0x84: {  	_ =	shalt  }
0x85: {  	_ =	shalt  }
0x86: {  	_ =	shalt  }
0x87: {  	_ =	shalt  }
.Lfunc_end0:
.L_simem_size_0:
called_computation_lowered:
.L_overlay_start_0:
0x88: {  	s2 =	sld [smem:$0x3FD9]  }
0x89: {  	s3 =	sld [smem:$0x3FFE];
	_ =	sdelay $0x1  }
0x8a: {  	s1 =	srdreg.scid  }
0x8b: {  	s0 =	sand.u32 $0x1, s1  }
0x8c: {  	s14 =	sshll.u32 s0, $0xA;
	s2 =	sadd.s32 s3, s2  }
0x8d: {  	s2 =	sadd.s32 s2, s14  }
0x8e: {  	[smem:$0x3FC0] =	sst s2  }
0x8f: {  	_ = 	snop  }
0x90: {  	s2 =	sld [smem:$0x3FD0];
	_ =	sdelay $0x2  }
0x91: {  	s15 =	simm.s32 $0xA;
	s4 =	simm.s32 $0x10  }
0x92: {  	[smem:s4], [sflag:s15] =	dma.local [hbm:s2], $0x1  }
0x93: {  	_ =	swait.eq [sflag:s15], $0x1  }
0x94: {  	[sflag:s15] =	ssyncset.done $0x0  }
0x95: {  	s16 =	sld [smem:$0x10];
	[sflag:s15] =	ssyncadd.s32 $0xFFFFFFFF  }
0x96: {  	s17 =	sld [smem:$0x11];
	(tm) =	ssettm $0x1  }
0x97: {  	s18 =	sld [smem:$0x3FFB];
	_ =	sdelay $0x3  }
0x98: {  	_ =	strace s18  }
0x99: {  	s4 =	sld [smem:$0x3FFC];
	_ =	sdelay $0x3  }
0x9a: {  	_ =	strace s4  }
0x9b: {  	s4 =	sld [smem:$0x3FFD];
	_ =	sdelay $0x3  }
0x9c: {  	_ =	strace s4  }
0x9d: {  	_ =	strace $0x8FFFFFFF  }
0x9e: {  	s19 =	sld [smem:$0x3FDB];
	_ =	sdelay $0x1  }
0x9f: {  	s5 =	simm.s32 $_scs_section_size  }
0xa0: {  	s6 =	simm.s32 $_size__tile_overlayer_lowered;
	s7 =	simm.s32 $_tile_overlayer_lowered  }
0xa1: {  	s22 =	simm.s32 $0x1BFF;
	s21 =	sshll.u32 s7, $0x1;
	s4 =	sadd.s32 s5, s19  }
0xa2: {  	s8 =	simm.s32 $0x0;
	s20 =	sshll.u32 s6, $0x1;
	s6 =	sadd.s32 s21, s4  }
0xa3: {  	[timem:s8], [sflag:s22] =	dma.local [hbm:s6], s20  }
0xa4: {  	_ =	swait.ge [sflag:s22], s20  }
0xa5: {  	s5 =	ssub.s32 $0x0, s20;
	[sflag:s22] =	ssyncset.done $0x0  }
0xa6: {  	[sflag:s22] =	ssyncadd.s32 s5;
	_ =	sdelay $0x1  }
0xa7: {  	s23 =	simm.s32 $0x1B8B  }
0xa8: {  	_ =	swait.ge [sflag:s23], $0x1  }
0xa9: {  	[sflag:s23] =	ssyncset.done $0x0  }
0xaa: {  	s25 =	simm.s32 $0x1B8E;
	s24 =	sld [smem:$0x3FFE];
	[sflag:s23] =	ssyncadd.s32 $0xFFFFFFFF  }
0xab: {  	s26 =	simm.s32 $execute0_lowered;
	[smem:$0x3FD2] =	sst s25  }
0xac: {  	s6 =	sshll.u32 s26, $0x1;
	_ =	strace $0x80000046;
	[dreg:$0x1] =	wrdreg $0xFFFFFFFF  }
0xad: {  	s28 =	simm.s32 $_size_execute0_lowered;
	s4 =	sadd.s32 s4, s6;
	[dreg:$0x0] =	wrdreg $0x0  }
0xae: {  	s6 =	sshll.u32 s28, $0x1;
	[dreg:$0x2] =	wrdreg s4  }
0xaf: {  	[dreg:$0x3] =	wrdreg s6  }
0xb0: {  	[dreg:$0x4] =	wrdreg $0xC0  }
0xb1: {  	_ =	task [dreg:s8], $0x5FFFF  }
0xb2: {  	[dreg:$0x1] =	wrdreg $0xFFFFFFFF  }
0xb3: {  	[dreg:$0x0] =	wrdreg $0x60  }
0xb4: {  	[dreg:$0x2] =	wrdreg s17  }
0xb5: {  	[dreg:$0x3] =	wrdreg s24  }
0xb6: {  	[dreg:$0x4] =	wrdreg s16  }
0xb7: {  	[dreg:$0x5] =	wrdreg $0x2B000  }
0xb8: {  	[dreg:$0x6] =	wrdreg $0x9  }
0xb9: {  	_ =	task.clear_ibuf [dreg:s8], $0x7FFFF;
	_ =	strace $0x90000046  }
0xba: {  	s29 =	simm.s32 $0x9;
	_ =	strace $0x80000048  }
0xbb: {  	_ =	swait.ge [sflag:s29], $0x1  }
0xbc: {  	[sflag:s29] =	ssyncadd.s32 $0xFFFFFFFF  }
0xbd: {  	_ =	strace $0x90000048  }
0xbe: {  	_ =	sfence  }
0xbf: {  	s30 =	sld [smem:$0x0];
	_ =	sdelay $0x2  }
0xc0: {  	s31 =	sshll.u32 s1, $0xD;
	s1 =	sshrl.u32 s1, $0x2  }
0xc1: {  	s3 =	sand.u32 $0x4000, s31;
	s1 =	sadd.s32 s1, s30  }
0xc2: {  	s0 =	sor.u32 s3, s0;
	s1 =	sshll.u32 s1, $0x11  }
0xc3: {  	s0 =	sor.u32 s1, s0  }
0xc4: {  	s0 =	sadd.s32 $0x8F2B, s0  }
0xc5: {  	[sflag:s0] =	ssyncadd.remote.s32 $0x1  }
0xc6: {  	_ =	sfence.sel $0xFFFF  }
0xc7: {  	[dreg:$0x0] =	wrdreg $0xFFFFFFFF;
	(pc) =	sbr.abs _section_cstart, $3  }
0xc8: {  	[dreg:$0x1] =	wrdreg $0xFFFFFFFF  }
0xc9: {  	_ =	task.clear_ibuf [dreg:s8], $0x2FFFF;
	_ =	strace $0x9FFFFFFF  }
0xca: {  	(tm) =	ssettm $0x7FFFFFFF  }
0xcb: {  	_ =	shalt  }
tec
execute0_lowered:
.L_overlay_start_1:
0x0: {  	(tag) =	ssettag $0x1  }
0x1: {  	s6 =	rddreg [dreg:$0x0]  }
0x2: {  	s5 =	rddreg [dreg:$0x1]  }
0x3: {  	s8 =	rddreg [dreg:$0x2]  }
0x4: {  	s2 =	rddreg [dreg:$0x3]  }
0x5: {  	s0 =	rddreg [dreg:$0x4]  }
0x6: {  	s3 =	simm.s32 $0x0;
	s4 =	srdreg.scid;
	s1 =	stileid.u32  }
0x7: {  	s13 =	simm.s32 $0x80;
	s14 =	simm.s32 $0x0;
	[smem:$0x7FF] =	sst s3  }
0x8: {  	s7 =	sand.u32 $0x1, s4;
	s9 =	smul.u32 $0x280, s1;
	s10 =	sshll.u32 s1, $0x1  }
0x9: {  	s4 =	sadd.s32 $0x2600, s5;
	s5 =	sadd.s32 $0x2800, s5;
	s11 =	smul.u32 $0x2800, s7  }
0xa: {  	_ =	strace $0x80000047;
	s12 =	ssub.s32 $0x2, s7;
	s7 =	sor.u32 s7, s10  }
0xb: {  	s31 =	sshrl.u32 s12, $0x1;
	s7 =	smul.u32 $0x500, s7;
	s11 =	sadd.s32 s9, s11  }
0xc: {  	s10 =	ssub.s32 s12, s31;
	s12 =	simm.s32 $0x2880;
	s11 =	sshrl.u32 s11, $0x3  }
0xd: {  	s6 =	sadd.s32 s6, s7;
	s7 =	sadd.s32 s9, s2;
	s9 =	smax.u32 s10, $0x1  }
0xe: {  	s10 =	simm.s32 $0x1;
	s8 =	sadd.s32 s8, s11;
	s11 =	simm.s32 $0x2800  }
.LBB2_1:
0xf: {  	[tilespmem:s3], [sflag:$0x1] =	stream.linear.gather [hbm4b:s6+s3], $0x2780, $0x38;
	[tilespmem:$0x2D80] =	vst v63  }
0x10: {  	_ =	swait.ge [sflag:s10], $0x2780  }
0x11: {  	[sflag:s10] =	ssyncset.done $0x0  }
0x12: {  	[sflag:s10] =	ssyncadd.s32 $0xFFFFD880  }
0x13: {  	[tilespmem:s11], [sflag:$0x1] =	stream.linear.gather [hbm4b:s4+s3], $0x80, $0x38;
	[tilespmem:$0x2D80] =	vst v63  }
0x14: {  	_ =	swait.ge [sflag:s10], $0x80  }
0x15: {  	[sflag:s10] =	ssyncset.done $0x0  }
0x16: {  	[sflag:s10] =	ssyncadd.s32 $0xFFFFFF80  }
0x17: {  	[tilespmem:s12], [sflag:$0x1] =	stream.linear.gather [hbm4b:s5+s3], $0x280, $0x38;
	[tilespmem:$0x2D80] =	vst v63  }
0x18: {  	_ =	swait.ge [sflag:s10], $0x280  }
0x19: {  	[sflag:s10] =	ssyncset.done $0x0  }
0x1a: {  	[sflag:s10] =	ssyncadd.s32 $0xFFFFFD80  }
0x1b: {  	[spmem:s7] =	stream.linear.scatter [tilespmem:s12], [sflag:$0x1], $0x280, $0x38;
	[tilespmem:$0x2D80] =	vst v63  }
0x1c: {  	_ =	swait.ge [sflag:s10], $0x280  }
0x1d: {  	[sflag:s10] =	ssyncset.done $0x0  }
0x1e: {  	[sflag:s10] =	ssyncadd.s32 $0xFFFFFD80  }
0x1f: {  	s15 =	simm.s32 $0x0;
	[bflag:$0x0] =	sbarrier.arrive $0xFFFF  }
0x20: {  	[spmem:s2] =	stream.indirect.scatter.add.f32 [tilespmem:s11], [sflag:$0x1], $0x1, s15, s13, $0xb8;
	[tilespmem:$0x2D80] =	vst v63  }
0x21: {  	_ =	swait.ge [sflag:s10], $0x80  }
0x22: {  	s15 =	simm.s32 $0x200;
	[sflag:s10] =	ssyncset.done $0x0  }
.LBB2_2:
0x23: {  	s16 =	sshra.s32 s15, $0x2;
	[sflag:s10] =	ssyncadd.s32 $0xFFFFFF80;
	p0 =	sne.s32 s15, $0x9C00  }
0x24: {  	[spmem:s2] =	stream.indirect.scatter.add.f32 [tilespmem:s11], [sflag:$0x1], $0x1, s16, s13, $0xb8;
	[tilespmem:$0x2D80] =	vst v63  }
.Ltmp0:
0x25: {  	_ = 	snop;
	(pc) =	sbr.rel @p0 .LBB2_2-.Ltmp0, $4  }
0x26: {  	_ = 	snop  }
0x27: {  	s15 =	sadd.s32 $0x200, s15  }
0x28: {  	_ =	swait.ge [sflag:s10], $0x80  }
0x29: {  	[sflag:s10] =	ssyncset.done $0x0  }
0x2a: {  	[sflag:s10] =	ssyncadd.s32 $0xFFFFFF80  }
0x2b: {  	[bflag:$0x0] =	sbarrier.arrive $0xFFFF  }
0x2c: {  	[tilespmem:s12], [sflag:$0x1] =	stream.linear.gather [spmem:s7], $0x280, $0x38;
	[tilespmem:$0x2D80] =	vst v63  }
0x2d: {  	s14 =	sadd.s32 $0x1, s14;
	_ =	swait.ge [sflag:s10], $0x280  }
0x2e: {  	p0 =	sne.s32 s14, s9;
	[sflag:s10] =	ssyncset.done $0x0  }
.Ltmp1:
0x2f: {  	[sflag:s10] =	ssyncadd.s32 $0xFFFFFD80;
	(pc) =	sbr.rel @p0 .LBB2_1-.Ltmp1, $4  }
0x30: {  	[hbm4b:s8+s3] =	stream.linear.scatter [tilespmem:s12], [sflag:$0x1], $0x280, $0x38;
	[tilespmem:$0x2D80] =	vst v63  }
0x31: {  	_ =	swait.ge [sflag:s10], $0x280  }
0x32: {  	[sflag:s10] =	ssyncset.done $0x0  }
0x33: {  	[sflag:s10] =	ssyncadd.s32 $0xFFFFFD80  }
0x34: {  	_ =	sfence.sel $0x180000  }
0x35: {  	[bflag:$0x0] =	sbarrier.arrive $0xFFFF  }
0x36: {  	p0 =	sne.s32 s1, $0x0;
	_ =	strace $0x90000047  }
0x37: {  	s0 =	sadd.s32 @!p0 $0x100000, s0;
	[bflag:$0x2] =	sbarrier.arrive $0xFFFF  }
0x38: {  	[sflag:s0] =	ssyncadd.tile.s32 @!p0 $0x1;
	_ =	shalt  }
.Lfunc_end2:
_tile_overlayer_lowered:
.L_overlay_start_2:
0x39: {  	(tag) =	ssettag $0x2  }
0x3a: {  	s0 =	rddreg [dreg:$0x0];
	s2 =	stileid.u32  }
0x3b: {  	s1 =	rddreg [dreg:$0x1];
	p0 =	sne.s32 s2, $0x0  }
0x3c: {  	s3 =	rddreg [dreg:$0x2];
	[bflag:$0x3] =	sbarrier.arrive $0xFFFF;
	s2 =	simm.s32 @!p0 $0x1C01  }
0x3d: {  	[timem:s3], [sflag:s2] =	dma.local @!p0 [hbm:s0], s1  }
0x3e: {  	s0 =	simm.s32 @!p0 $0x1  }
0x3f: {  	_ =	swait.ge @!p0 [sflag:s0], s1  }
0x40: {  	s1 =	ssub.s32 @!p0 $0x0, s1;
	[sflag:s0] =	ssyncset.done @!p0 $0x0  }
0x41: {  	[sflag:s0] =	ssyncadd.s32 @!p0 s1  }
0x42: {  	[bflag:$0x3] =	sbarrier.arrive $0xFFFF  }
0x43: {  	_ =	shalt  }

// kernel: kernel.9.cloned.1.call-start
scs
__scs_entry_jumppad:
0x0: {  	(pc) =	sbr.rel $0x88, $3  }
0x1: {  	(tag) =	ssettag $0x0;
	lr =	simm.s32 $0x1  }
0x2: {  	[smem:$0x3F99] =	sst lr;
	_ =	strace $0xD0000000  }
0x3: {  	_ = 	snop  }
0x4: {  	_ = 	snop  }
0x5: {  	_ = 	snop  }
0x6: {  	_ = 	snop  }
0x7: {  	_ = 	snop  }
__scs_overlays_trampoline_lowered:
0x8: {  	[smem:$0x3FA8] =	sst s0  }
0x9: {  	[smem:$0x3FA9] =	sst s1  }
0xa: {  	[smem:$0x3FAA] =	sst s2  }
0xb: {  	[smem:$0x3FAB] =	sst s3  }
0xc: {  	[smem:$0x3FAC] =	sst s4  }
0xd: {  	[smem:$0x3FAD] =	sst s5  }
0xe: {  	[smem:$0x3FAE] =	sst s6  }
0xf: {  	[smem:$0x3FAF] =	sst s7  }
0x10: {  	[smem:$0x3FB0] =	sst s8  }
0x11: {  	[smem:$0x3FB1] =	sst s9;
	s0 =	simm.s32 @!p0 $0x0  }
0x12: {  	s1 =	sld [smem:$0x3F97];
	s0 =	simm.s32 @p0 $0x1  }
0x13: {  	[smem:$0x3FB2] =	sst s0;
	s0 =	simm.s32 @!p1 $0x0  }
0x14: {  	s2 =	sld [smem:$0x3F96];
	s0 =	simm.s32 @p1 $0x1  }
0x15: {  	[smem:$0x3FB3] =	sst s0;
	s0 =	simm.s32 @!p2 $0x0  }
0x16: {  	s3 =	sld [smem:$0x3FDB];
	s0 =	simm.s32 @p2 $0x1  }
0x17: {  	s4 =	simm.s32 $0x1BF5;
	[smem:$0x3FB5] =	sst s0  }
0x18: {  	s0 =	sld [smem:$0x3F98];
	_ =	swait.ge [sflag:s4], $0x0  }
0x19: {  	s7 =	sld [smem:$0x3F99]  }
0x1a: {  	s8 =	sadd.s32 $0xFFFFE003, lr  }
0x1b: {  	s9 =	sadd.s32 $0xFFFFFEF7, lr;
	s5 =	simm.s32 $0xFFFFFFFF;
	p2 =	slt.u32 s8, $0xFFFFF086  }
0x1c: {  	p1 =	slt.u32 s9, $0xF7A;
	s5 =	simm.s32 @!p2 $0x0  }
0x1d: {  	s5 =	simm.s32 @p1 $0x1;
	p0 =	seq.s32 s7, s2  }
0x1e: {  	s7 =	smul.u32 @!p0 $0xF7A, s2;
	p2 =	seq.s32 @!p0 s5, $0x0  }
0x1f: {  	s9 =	smul.u32 $0xF7A, s1;
	s8 =	simm.s32 @!p0 $0x1BF5;
	p2 =	por !p2, p0  }
0x20: {  	[sflag:s8] =	ssyncset.s32 @!p0 $0xFFFFF086;
	s6 =	sadd.s32 @!p0 s3, s7;
	s7 =	simm.s32 @!p0 $0x108  }
0x21: {  	s3 =	sadd.s32 s3, s9;
	s6 =	sadd.s32 @!p0 $0x88, s6;
	s7 =	simm.s32 @p2 $0x1082  }
0x22: {  	[simem:s7], [sflag:s8] =	dma.local @!p0 [hbm:s6], $0xF7A  }
0x23: {  	s9 =	sor.u32 $0xD0000000, s2;
	s6 =	simm.s32 $0x108;
	_ =	swait.ge @!p0 [sflag:s8], $0x0  }
0x24: {  	s3 =	sadd.s32 $0x88, s3;
	s6 =	simm.s32 @!p1 $0x1082;
	[sflag:s4] =	ssyncset.s32 $0xFFFFF086  }
0x25: {  	[simem:s6], [sflag:s4] =	dma.local [hbm:s3], $0xF7A  }
0x26: {  	[smem:$0x3F99] =	sst s1;
	(tag) =	ssettag s2;
	_ =	strace s9  }
0x27: {  	s1 =	sld [smem:$0x3FA9]  }
0x28: {  	s2 =	sld [smem:$0x3FAA]  }
0x29: {  	s4 =	sld [smem:$0x3FAC]  }
0x2a: {  	p0 =	seq.s32 s5, $0x0;
	s5 =	sld [smem:$0x3FAD]  }
0x2b: {  	s6 =	sld [smem:$0x3FAE]  }
0x2c: {  	s7 =	sld [smem:$0x3FAF]  }
0x2d: {  	s3 =	simm.s32 $0x108;
	s8 =	sld [smem:$0x3FB0]  }
0x2e: {  	s3 =	simm.s32 @!p0 $0x1082;
	s9 =	sld [smem:$0x3FB1]  }
0x2f: {  	lr =	sadd.s32 s0, s3;
	s0 =	sld [smem:$0x3FA8]  }
0x30: {  	s3 =	sld [smem:$0x3FAB]  }
0x31: {  	[smem:$0x3FB4] =	sst s10  }
0x32: {  	s10 =	sld [smem:$0x3FB2];
	_ =	sdelay $0x3  }
0x33: {  	p0 =	seq.s32 s10, $0x1;
	s10 =	sld [smem:$0x3FB4];
	_ =	sdelay $0x3  }
0x34: {  	[smem:$0x3FB4] =	sst s10  }
0x35: {  	s10 =	sld [smem:$0x3FB3];
	_ =	sdelay $0x3  }
0x36: {  	p1 =	seq.s32 s10, $0x1;
	s10 =	sld [smem:$0x3FB4];
	_ =	sdelay $0x3  }
0x37: {  	[smem:$0x3FB4] =	sst s10  }
0x38: {  	s10 =	sld [smem:$0x3FB5]  }
0x39: {  	_ = 	snop;
	(pc) =	sbr.ind lr, $3  }
0x3a: {  	_ = 	snop  }
0x3b: {  	_ = 	snop  }
0x3c: {  	p2 =	seq.s32 s10, $0x1;
	s10 =	sld [smem:$0x3FB4]  }
0x3d: {  	_ =	shalt  }
0x3e: {  	_ =	shalt  }
0x3f: {  	_ =	shalt  }
0x40: {  	_ =	shalt  }
0x41: {  	_ =	shalt  }
0x42: {  	_ =	shalt  }
0x43: {  	_ =	shalt  }
0x44: {  	_ =	shalt  }
0x45: {  	_ =	shalt  }
0x46: {  	_ =	shalt  }
0x47: {  	_ =	shalt  }
0x48: {  	_ =	shalt  }
0x49: {  	_ =	shalt  }
0x4a: {  	_ =	shalt  }
0x4b: {  	_ =	shalt  }
0x4c: {  	_ =	shalt  }
0x4d: {  	_ =	shalt  }
0x4e: {  	_ =	shalt  }
0x4f: {  	_ =	shalt  }
0x50: {  	_ =	shalt  }
0x51: {  	_ =	shalt  }
0x52: {  	_ =	shalt  }
0x53: {  	_ =	shalt  }
0x54: {  	_ =	shalt  }
0x55: {  	_ =	shalt  }
0x56: {  	_ =	shalt  }
0x57: {  	_ =	shalt  }
0x58: {  	_ =	shalt  }
0x59: {  	_ =	shalt  }
0x5a: {  	_ =	shalt  }
0x5b: {  	_ =	shalt  }
0x5c: {  	_ =	shalt  }
0x5d: {  	_ =	shalt  }
0x5e: {  	_ =	shalt  }
0x5f: {  	_ =	shalt  }
0x60: {  	_ =	shalt  }
0x61: {  	_ =	shalt  }
0x62: {  	_ =	shalt  }
0x63: {  	_ =	shalt  }
0x64: {  	_ =	shalt  }
0x65: {  	_ =	shalt  }
0x66: {  	_ =	shalt  }
0x67: {  	_ =	shalt  }
0x68: {  	_ =	shalt  }
0x69: {  	_ =	shalt  }
0x6a: {  	_ =	shalt  }
0x6b: {  	_ =	shalt  }
0x6c: {  	_ =	shalt  }
0x6d: {  	_ =	shalt  }
0x6e: {  	_ =	shalt  }
0x6f: {  	_ =	shalt  }
0x70: {  	_ =	shalt  }
0x71: {  	_ =	shalt  }
0x72: {  	_ =	shalt  }
0x73: {  	_ =	shalt  }
0x74: {  	_ =	shalt  }
0x75: {  	_ =	shalt  }
0x76: {  	_ =	shalt  }
0x77: {  	_ =	shalt  }
0x78: {  	_ =	shalt  }
0x79: {  	_ =	shalt  }
0x7a: {  	_ =	shalt  }
0x7b: {  	_ =	shalt  }
0x7c: {  	_ =	shalt  }
0x7d: {  	_ =	shalt  }
0x7e: {  	_ =	shalt  }
0x7f: {  	_ =	shalt  }
0x80: {  	_ =	shalt  }
0x81: {  	_ =	shalt  }
0x82: {  	_ =	shalt  }
0x83: {  	_ =	shalt  }
0x84: {  	_ =	shalt  }
0x85: {  	_ =	shalt  }
0x86: {  	_ =	shalt  }
0x87: {  	_ =	shalt  }
.Lfunc_end0:
.L_simem_size_0:
called_computation.1_lowered:
.L_overlay_start_0:
0x88: {  	s2 =	sld [smem:$0x3FD9]  }
0x89: {  	s3 =	sld [smem:$0x3FFE];
	_ =	sdelay $0x1  }
0x8a: {  	s1 =	srdreg.scid  }
0x8b: {  	s0 =	sand.u32 $0x1, s1  }
0x8c: {  	s14 =	sshll.u32 s0, $0xA;
	s2 =	sadd.s32 s3, s2  }
0x8d: {  	s2 =	sadd.s32 s2, s14  }
0x8e: {  	[smem:$0x3FC0] =	sst s2  }
0x8f: {  	_ = 	snop  }
0x90: {  	s2 =	sld [smem:$0x3FD0];
	_ =	sdelay $0x2  }
0x91: {  	s15 =	simm.s32 $0xA;
	s4 =	simm.s32 $0x10  }
0x92: {  	[smem:s4], [sflag:s15] =	dma.local [hbm:s2], $0x1  }
0x93: {  	_ =	swait.eq [sflag:s15], $0x1  }
0x94: {  	[sflag:s15] =	ssyncset.done $0x0  }
0x95: {  	[sflag:s15] =	ssyncadd.s32 $0xFFFFFFFF  }
0x96: {  	s16 =	sld [smem:$0x11];
	(tm) =	ssettm $0x1  }
0x97: {  	s17 =	sld [smem:$0x3FFB];
	_ =	sdelay $0x3  }
0x98: {  	_ =	strace s17  }
0x99: {  	s3 =	sld [smem:$0x3FFC];
	_ =	sdelay $0x3  }
0x9a: {  	_ =	strace s3  }
0x9b: {  	s3 =	sld [smem:$0x3FFD];
	_ =	sdelay $0x3  }
0x9c: {  	_ =	strace s3  }
0x9d: {  	_ =	strace $0x8FFFFFFF  }
0x9e: {  	s18 =	sld [smem:$0x3FDB];
	_ =	sdelay $0x1  }
0x9f: {  	s19 =	simm.s32 $_scs_section_size  }
0xa0: {  	s5 =	simm.s32 $_size__tile_overlayer_lowered;
	s6 =	simm.s32 $_tile_overlayer_lowered  }
0xa1: {  	s22 =	simm.s32 $0x1BFF;
	s21 =	sshll.u32 s6, $0x1;
	s3 =	sadd.s32 s19, s18  }
0xa2: {  	s7 =	simm.s32 $0x0;
	s20 =	sshll.u32 s5, $0x1;
	s5 =	sadd.s32 s21, s3  }
0xa3: {  	[timem:s7], [sflag:s22] =	dma.local [hbm:s5], s20  }
0xa4: {  	_ =	swait.ge [sflag:s22], s20  }
0xa5: {  	s4 =	ssub.s32 $0x0, s20;
	[sflag:s22] =	ssyncset.done $0x0  }
0xa6: {  	[sflag:s22] =	ssyncadd.s32 s4;
	_ =	sdelay $0x1  }
0xa7: {  	s23 =	simm.s32 $0x1B8B  }
0xa8: {  	_ =	swait.ge [sflag:s23], $0x1  }
0xa9: {  	[sflag:s23] =	ssyncset.done $0x0  }
0xaa: {  	s25 =	simm.s32 $0x1B8E;
	s24 =	sld [smem:$0x3FFE];
	[sflag:s23] =	ssyncadd.s32 $0xFFFFFFFF  }
0xab: {  	s26 =	simm.s32 $execute0_lowered;
	[smem:$0x3FD2] =	sst s25  }
0xac: {  	s5 =	sshll.u32 s26, $0x1;
	_ =	strace $0x80000049;
	[dreg:$0x1] =	wrdreg $0xFFFFFFFF  }
0xad: {  	s28 =	simm.s32 $_size_execute0_lowered;
	s3 =	sadd.s32 s3, s5;
	[dreg:$0x0] =	wrdreg $0x0  }
0xae: {  	s5 =	sshll.u32 s28, $0x1;
	[dreg:$0x2] =	wrdreg s3  }
0xaf: {  	[dreg:$0x3] =	wrdreg s5  }
0xb0: {  	[dreg:$0x4] =	wrdreg $0xC0  }
0xb1: {  	_ =	task [dreg:s7], $0x5FFFF  }
0xb2: {  	[dreg:$0x1] =	wrdreg $0xFFFFFFFF  }
0xb3: {  	[dreg:$0x0] =	wrdreg $0x60  }
0xb4: {  	[dreg:$0x2] =	wrdreg s24  }
0xb5: {  	[dreg:$0x3] =	wrdreg s16  }
0xb6: {  	[dreg:$0x4] =	wrdreg $0x144000  }
0xb7: {  	[dreg:$0x5] =	wrdreg $0x9  }
0xb8: {  	_ =	task.clear_ibuf [dreg:s7], $0x6FFFF;
	_ =	strace $0x90000049  }
0xb9: {  	s29 =	simm.s32 $0x9;
	_ =	strace $0x8000004B  }
0xba: {  	_ =	swait.ge [sflag:s29], $0x1  }
0xbb: {  	[sflag:s29] =	ssyncadd.s32 $0xFFFFFFFF  }
0xbc: {  	_ =	strace $0x9000004B  }
0xbd: {  	_ =	sfence  }
0xbe: {  	s30 =	sld [smem:$0x0];
	_ =	sdelay $0x2  }
0xbf: {  	s31 =	sshll.u32 s1, $0xD;
	s1 =	sshrl.u32 s1, $0x2  }
0xc0: {  	s3 =	sand.u32 $0x4000, s31;
	s1 =	sadd.s32 s1, s30  }
0xc1: {  	s0 =	sor.u32 s3, s0;
	s1 =	sshll.u32 s1, $0x11  }
0xc2: {  	s0 =	sor.u32 s1, s0  }
0xc3: {  	s0 =	sadd.s32 $0x8F2B, s0  }
0xc4: {  	[sflag:s0] =	ssyncadd.remote.s32 $0x1  }
0xc5: {  	_ =	sfence.sel $0xFFFF  }
0xc6: {  	[dreg:$0x0] =	wrdreg $0xFFFFFFFF;
	(pc) =	sbr.abs _section_cstart, $3  }
0xc7: {  	[dreg:$0x1] =	wrdreg $0xFFFFFFFF  }
0xc8: {  	_ =	task.clear_ibuf [dreg:s7], $0x2FFFF;
	_ =	strace $0x9FFFFFFF  }
0xc9: {  	(tm) =	ssettm $0x7FFFFFFF  }
tec
execute0_lowered:
.L_overlay_start_1:
0x0: {  	(tag) =	ssettag $0x1  }
0x1: {  	s0 =	rddreg [dreg:$0x0]  }
0x2: {  	s2 =	rddreg [dreg:$0x2]  }
0x3: {  	s3 =	simm.s32 $0x0;
	s1 =	srdreg.scid;
	s14 =	stileid.u32  }
0x4: {  	s28 =	simm.s32 $0x3;
	s31 =	simm.s32 $0xE000;
	s29 =	simm.s32 $0x1  }
0x5: {  	[smem:$0x7FF] =	sst s3;
	s4 =	sand.u32 $0x1, s1;
	s5 =	sadd.s32 $0x2AA00, s0  }
0x6: {  	s6 =	sadd.s32 $0x52A00, s0;
	s9 =	smul.u32 $0xA00, s14;
	s8 =	sadd.s32 $0xA2A00, s0  }
0x7: {  	s13 =	sand.u32 $0x2, s1;
	s1 =	sshrl.u32 s1, $0x2;
	s19 =	smul.u32 $0x28000, s14  }
0x8: {  	_ =	strace $0x8000004A;
	s7 =	smul.u32 $0xA000, s4;
	s10 =	ssub.s32 $0x2, s4  }
0x9: {  	[dreg:$0x5] =	wrdreg s1;
	s18 =	ssub.s32 s13, s4;
	s16 =	sshrl.u32 s10, $0x1  }
0xa: {  	s11 =	sadd.s32 s7, s0;
	s7 =	sadd.s32 $0x7AA00, s0;
	s0 =	ssub.s32 s10, s16  }
0xb: {  	s10 =	smul.u32 $0x1400, s4;
	s4 =	sshrl.u32 s19, $0x2;
	s12 =	sadd.s32 s9, s11  }
0xc: {  	s0 =	smax.u32 s0, $0x1;
	s23 =	sadd.s32 s4, s2;
	s17 =	sadd.s32 $0x2A00, s12  }
0xd: {  	s12 =	sadd.s32 $0x16A00, s11;
	s11 =	smul.u32 $0x140, s14;
	[dreg:$0x6] =	wrdreg s0  }
0xe: {  	s30 =	simm.s32 $0x10000;
	s1 =	sadd.s32 $0x5, s18;
	[dreg:$0x8] =	wrdreg s23  }
0xf: {  	[dreg:$0x4] =	wrdreg s17;
	s20 =	sadd.s32 s10, s11;
	s22 =	sadd.s32 $0x40, s11  }
0x10: {  	s26 =	sadd.s32 $0x80, s11;
	s17 =	sadd.s32 $0xC0, s11;
	s21 =	sshll.u32 s20, $0x4  }
0x11: {  	s24 =	sadd.s32 s10, s22;
	s25 =	sshll.u32 s22, $0x7;
	s15 =	sadd.s32 s10, s26  }
0x12: {  	s16 =	sshll.u32 s26, $0x7;
	s19 =	sadd.s32 s10, s17;
	s22 =	sadd.s32 $0x100, s11  }
0x13: {  	s0 =	sadd.s32 s5, s21;
	s14 =	sadd.s32 s25, s2;
	s18 =	sadd.s32 s16, s2  }
0x14: {  	s21 =	sadd.s32 s9, s12;
	s25 =	sadd.s32 s10, s22;
	[dreg:$0x7] =	wrdreg s0  }
0x15: {  	s4 =	sshll.u32 s22, $0x7;
	s9 =	simm.s32 $0x2;
	[dreg:$0xa] =	wrdreg s14  }
0x16: {  	s12 =	simm.s32 $0x0;
	s0 =	sshll.u32 s24, $0x4;
	[dreg:$0xc] =	wrdreg s18  }
0x17: {  	[dreg:$0xd] =	wrdreg s21;
	s24 =	sshll.u32 s17, $0x7;
	s0 =	sadd.s32 s5, s0  }
0x18: {  	s26 =	sshll.u32 s25, $0x4;
	[dreg:$0x9] =	wrdreg s0;
	s0 =	sshll.u32 s15, $0x4  }
0x19: {  	s25 =	sadd.s32 s4, s2;
	s4 =	simm.s32 $0x12000;
	s0 =	sadd.s32 s5, s0  }
0x1a: {  	s23 =	sadd.s32 s24, s2;
	[dreg:$0xb] =	wrdreg s0;
	s0 =	sshll.u32 s19, $0x4  }
0x1b: {  	s24 =	sadd.s32 s5, s26;
	s26 =	sshll.u32 s1, $0xE;
	s0 =	sadd.s32 s5, s0  }
0x1c: {  	s1 =	simm.s32 $0xA000;
	[dreg:$0xe] =	wrdreg s0;
	s0 =	simm.s32 $0x80  }
.LBB2_1:
0x1d: {  	s13 =	rddreg [dreg:$0x4]  }
0x1e: {  	[tilespmem:s3], [sflag:$0x3] =	stream.linear.gather [hbm4b:s13+s3], $0x4F00, $0x38;
	[tilespmem:$0x1E400] =	vst v63  }
0x1f: {  	_ =	swait.ge [sflag:s28], $0x4F00  }
0x20: {  	[sflag:s28] =	ssyncset.done $0x0  }
0x21: {  	s14 =	simm.s32 $0x5000;
	s18 =	rddreg [dreg:$0xd];
	[sflag:s28] =	ssyncadd.s32 $0xFFFFB100  }
0x22: {  	[tilespmem:s14], [sflag:$0x3] =	stream.linear.gather [hbm4b:s18+s3], $0x4F00, $0x38;
	[tilespmem:$0x1E400] =	vst v63  }
0x23: {  	_ =	swait.ge [sflag:s28], $0x4F00  }
0x24: {  	[sflag:s28] =	ssyncset.done $0x0  }
0x25: {  	[sflag:s28] =	ssyncadd.s32 $0xFFFFB100  }
0x26: {  	s21 =	simm.s32 $0x14000;
	s19 =	rddreg [dreg:$0x1]  }
0x27: {  	[tilespmem:s21], [sflag:$0x3] =	stream.linear.gather [hbm4b:s19+s3], $0x400, $0x38;
	[tilespmem:$0x1E400] =	vst v63  }
0x28: {  	_ =	swait.ge [sflag:s28], $0x400  }
0x29: {  	[sflag:s28] =	ssyncset.done $0x0  }
0x2a: {  	s22 =	rddreg [dreg:$0x7];
	[sflag:s28] =	ssyncadd.s32 $0xFFFFFC00  }
0x2b: {  	[tilespmem:s31], [sflag:$0x3] =	stream.linear.gather [hbm4b:s22+s3], $0x2000, $0x38;
	[tilespmem:$0x1E400] =	vst v63  }
0x2c: {  	_ =	swait.ge [sflag:s28], $0x2000  }
0x2d: {  	[sflag:s28] =	ssyncset.done $0x0  }
0x2e: {  	s14 =	rddreg [dreg:$0x8];
	[sflag:s28] =	ssyncadd.s32 $0xFFFFE000  }
0x2f: {  	[spmem:s14] =	stream.linear.scatter [tilespmem:s31], [sflag:$0x3], $0x2000, $0x38;
	[tilespmem:$0x1E400] =	vst v63  }
0x30: {  	_ =	swait.ge [sflag:s28], $0x2000  }
0x31: {  	[sflag:s28] =	ssyncset.done $0x0  }
0x32: {  	s15 =	rddreg [dreg:$0x9];
	[sflag:s28] =	ssyncadd.s32 $0xFFFFE000  }
0x33: {  	[tilespmem:s31], [sflag:$0x3] =	stream.linear.gather [hbm4b:s15+s3], $0x2000, $0x38;
	[tilespmem:$0x1E400] =	vst v63  }
0x34: {  	_ =	swait.ge [sflag:s28], $0x2000  }
0x35: {  	[sflag:s28] =	ssyncset.done $0x0  }
0x36: {  	s16 =	rddreg [dreg:$0xa];
	[sflag:s28] =	ssyncadd.s32 $0xFFFFE000  }
0x37: {  	[spmem:s16] =	stream.linear.scatter [tilespmem:s31], [sflag:$0x3], $0x2000, $0x38;
	[tilespmem:$0x1E400] =	vst v63  }
0x38: {  	_ =	swait.ge [sflag:s28], $0x2000  }
0x39: {  	[sflag:s28] =	ssyncset.done $0x0  }
0x3a: {  	s17 =	rddreg [dreg:$0xb];
	[sflag:s28] =	ssyncadd.s32 $0xFFFFE000  }
0x3b: {  	[tilespmem:s31], [sflag:$0x3] =	stream.linear.gather [hbm4b:s17+s3], $0x2000, $0x38;
	[tilespmem:$0x1E400] =	vst v63  }
0x3c: {  	_ =	swait.ge [sflag:s28], $0x2000  }
0x3d: {  	[sflag:s28] =	ssyncset.done $0x0  }
0x3e: {  	s18 =	rddreg [dreg:$0xc];
	[sflag:s28] =	ssyncadd.s32 $0xFFFFE000  }
0x3f: {  	[spmem:s18] =	stream.linear.scatter [tilespmem:s31], [sflag:$0x3], $0x2000, $0x38;
	[tilespmem:$0x1E400] =	vst v63  }
0x40: {  	_ =	swait.ge [sflag:s28], $0x2000  }
0x41: {  	[sflag:s28] =	ssyncset.done $0x0  }
0x42: {  	s19 =	rddreg [dreg:$0xe];
	[sflag:s28] =	ssyncadd.s32 $0xFFFFE000  }
0x43: {  	[tilespmem:s31], [sflag:$0x3] =	stream.linear.gather [hbm4b:s19+s3], $0x2000, $0x38;
	[tilespmem:$0x1E400] =	vst v63  }
0x44: {  	_ =	swait.ge [sflag:s28], $0x2000  }
0x45: {  	[sflag:s28] =	ssyncset.done $0x0  }
0x46: {  	[sflag:s28] =	ssyncadd.s32 $0xFFFFE000  }
0x47: {  	[spmem:s23] =	stream.linear.scatter [tilespmem:s31], [sflag:$0x3], $0x2000, $0x38;
	[tilespmem:$0x1E400] =	vst v63  }
0x48: {  	_ =	swait.ge [sflag:s28], $0x2000  }
0x49: {  	[sflag:s28] =	ssyncset.done $0x0  }
0x4a: {  	[sflag:s28] =	ssyncadd.s32 $0xFFFFE000  }
0x4b: {  	[tilespmem:s31], [sflag:$0x3] =	stream.linear.gather [hbm4b:s24+s3], $0x2000, $0x38;
	[tilespmem:$0x1E400] =	vst v63  }
0x4c: {  	_ =	swait.ge [sflag:s28], $0x2000  }
0x4d: {  	[sflag:s28] =	ssyncset.done $0x0  }
0x4e: {  	[sflag:s28] =	ssyncadd.s32 $0xFFFFE000  }
0x4f: {  	[spmem:s25] =	stream.linear.scatter [tilespmem:s31], [sflag:$0x3], $0x2000, $0x38;
	[tilespmem:$0x1E400] =	vst v63  }
0x50: {  	_ =	swait.ge [sflag:s28], $0x2000  }
0x51: {  	[sflag:s28] =	ssyncset.done $0x0  }
0x52: {  	[sflag:s28] =	ssyncadd.s32 $0xFFFFE000  }
0x53: {  	s21 =	simm.s32 $0x0;
	[bflag:$0x0] =	sbarrier.arrive $0xFFFF  }
0x54: {  	[tilespmem:s1], [sflag:$0x1] =	stream.indirect.gather [hbm4b:s5+s0], $0x80, s21, s0, $0xb8;
	[tilespmem:$0x1E400] =	vst v63  }
0x55: {  	_ =	swait.ge [sflag:s29], $0x4000  }
0x56: {  	[sflag:s29] =	ssyncset.done $0x0  }
0x57: {  	s22 =	simm.s32 $0x5000;
	[sflag:s29] =	ssyncadd.s32 $0xFFFFC000  }
0x58: {  	[spmem:s2] =	stream.indirect.scatter.add.f32 [tilespmem:s1], [sflag:$0x3], $0x80, s22, s0, $0xb8;
	[tilespmem:$0x1E400] =	vst v63  }
0x59: {  	_ =	swait.ge [sflag:s28], $0x4000  }
0x5a: {  	s13 =	simm.s32 $0x200;
	s14 =	simm.s32 $0x400;
	[sflag:s28] =	ssyncset.done $0x0  }
.LBB2_2:
0x5b: {  	s15 =	sshra.s32 s13, $0x2  }
0x5c: {  	[sflag:s28] =	ssyncadd.s32 $0xFFFFC000;
	s13 =	smov.u32 s14;
	s16 =	sadd.s32 $0x200, s14  }
0x5d: {  	[tilespmem:s1], [sflag:$0x1] =	stream.indirect.gather [hbm4b:s5+s0], $0x80, s15, s0, $0xb8;
	[tilespmem:$0x1E400] =	vst v63  }
0x5e: {  	p0 =	sne.s32 s14, $0x13A00;
	_ =	swait.ge [sflag:s29], $0x4000  }
.Ltmp0:
0x5f: {  	[sflag:s29] =	ssyncset.done $0x0;
	(pc) =	sbr.rel @p0 .LBB2_2-.Ltmp0, $4  }
0x60: {  	s14 =	sadd.s32 $0x5000, s15;
	[sflag:s29] =	ssyncadd.s32 $0xFFFFC000  }
0x61: {  	[spmem:s2] =	stream.indirect.scatter.add.f32 [tilespmem:s1], [sflag:$0x3], $0x80, s14, s0, $0xb8;
	[tilespmem:$0x1E400] =	vst v63  }
0x62: {  	_ =	swait.ge [sflag:s28], $0x4000  }
0x63: {  	s14 =	smov.u32 s16;
	[sflag:s28] =	ssyncset.done $0x0  }
0x64: {  	s13 =	sshra.s32 s13, $0x2;
	[sflag:s28] =	ssyncadd.s32 $0xFFFFC000  }
0x65: {  	[tilespmem:s1], [sflag:$0x1] =	stream.indirect.gather [hbm4b:s5+s0], $0x80, s13, s0, $0xb8;
	[tilespmem:$0x1E400] =	vst v63  }
0x66: {  	_ =	swait.ge [sflag:s29], $0x4000  }
0x67: {  	[sflag:s29] =	ssyncset.done $0x0  }
0x68: {  	s13 =	sadd.s32 $0x5000, s13;
	[sflag:s29] =	ssyncadd.s32 $0xFFFFC000  }
0x69: {  	[spmem:s2] =	stream.indirect.scatter.add.f32 [tilespmem:s1], [sflag:$0x3], $0x80, s13, s0, $0xb8;
	[tilespmem:$0x1E400] =	vst v63  }
0x6a: {  	_ =	swait.ge [sflag:s28], $0x4000  }
0x6b: {  	[sflag:s28] =	ssyncset.done $0x0  }
0x6c: {  	s15 =	smov.u32 s20;
	[sflag:s28] =	ssyncadd.s32 $0xFFFFC000  }
0x6d: {  	s16 =	simm.s32 $0x0;
	s13 =	simm.s32 $0x0;
	[bflag:$0x0] =	sbarrier.arrive $0xFFFF  }
.LBB2_4:
0x6e: {  	s14 =	sshll.u32 s16, $0x6  }
0x6f: {  	s14 =	sadd.s32 s11, s14  }
0x70: {  	s17 =	sshll.u32 s14, $0x7  }
0x71: {  	s17 =	sand.u32 $0x3FFFFF80, s17  }
0x72: {  	s17 =	sadd.s32 s17, s2  }
0x73: {  	[tilespmem:s31], [sflag:$0x3] =	stream.linear.gather [spmem:s17], $0x2000, $0x38;
	[tilespmem:$0x1E400] =	vst v63  }
0x74: {  	s14 =	sadd.s32 s10, s14;
	_ =	swait.ge [sflag:s28], $0x2000  }
0x75: {  	s18 =	sshll.u32 s14, $0x4;
	[sflag:s28] =	ssyncset.done $0x0  }
0x76: {  	s14 =	sadd.s32 s6, s18;
	[sflag:s28] =	ssyncadd.s32 $0xFFFFE000  }
0x77: {  	[tilespmem:s30], [sflag:$0x3] =	stream.linear.gather [hbm4b:s14+s13], $0x2000, $0x38;
	[tilespmem:$0x1E400] =	vst v63  }
0x78: {  	_ =	swait.ge [sflag:s28], $0x2000  }
0x79: {  	[sflag:s28] =	ssyncset.done $0x0  }
0x7a: {  	s19 =	simm.s32 $0x0;
	[sflag:s28] =	ssyncadd.s32 $0xFFFFE000  }
0x7b: {  	v0 =	vld [tilespmem:s19+$0x10000]  }
0x7c: {  	v1 =	vld [tilespmem:s19+$0xE000];
	_ =	sdelay $0x1  }
0x7d: {  	v2 =	vld [tilespmem:$0x14000];
	_ =	sdelay $0x2  }
0x7e: {  	v1 =	vmul.f32 v1, v0;
	_ =	sdelay $0x1  }
0x7f: {  	v1 =	vadd.f32 v2, v1;
	_ =	sdelay $0x1  }
0x80: {  	v1 =	vmax.f32 v1, $0.0e+00  }
0x81: {  	v0 =	vmul.f32 v1, v0  }
0x82: {  	p0 =	slt.u32 s15, $0x2710;
	v2 =	vld [tilespmem:s19+$0xE010]  }
0x83: {  	v1 =	vld [tilespmem:s19+$0x10010];
	v0 =	vpsel !p0, $0x0, v0  }
0x84: {  	[tilespmem:s19+$0x12000] =	vst v0  }
0x85: {  	v0 =	vld [tilespmem:$0x14010];
	_ =	sdelay $0x2  }
0x86: {  	v2 =	vmul.f32 v2, v1;
	_ =	sdelay $0x1  }
0x87: {  	v0 =	vadd.f32 v0, v2;
	_ =	sdelay $0x1  }
0x88: {  	v0 =	vmax.f32 v0, $0.0e+00  }
0x89: {  	v0 =	vmul.f32 v0, v1  }
0x8a: {  	v2 =	vld [tilespmem:s19+$0xE020]  }
0x8b: {  	v1 =	vld [tilespmem:s19+$0x10020];
	v0 =	vpsel !p0, $0x0, v0  }
0x8c: {  	[tilespmem:s19+$0x12010] =	vst v0  }
0x8d: {  	v0 =	vld [tilespmem:$0x14020];
	_ =	sdelay $0x2  }
0x8e: {  	v2 =	vmul.f32 v2, v1;
	_ =	sdelay $0x1  }
0x8f: {  	v0 =	vadd.f32 v0, v2;
	_ =	sdelay $0x1  }
0x90: {  	v0 =	vmax.f32 v0, $0.0e+00  }
0x91: {  	v0 =	vmul.f32 v0, v1  }
0x92: {  	v2 =	vld [tilespmem:s19+$0xE030]  }
0x93: {  	v1 =	vld [tilespmem:s19+$0x10030];
	v0 =	vpsel !p0, $0x0, v0  }
0x94: {  	[tilespmem:s19+$0x12020] =	vst v0  }
0x95: {  	v0 =	vld [tilespmem:$0x14030];
	_ =	sdelay $0x2  }
0x96: {  	v2 =	vmul.f32 v2, v1;
	_ =	sdelay $0x1  }
0x97: {  	v0 =	vadd.f32 v0, v2;
	_ =	sdelay $0x1  }
0x98: {  	v0 =	vmax.f32 v0, $0.0e+00  }
0x99: {  	v0 =	vmul.f32 v0, v1  }
0x9a: {  	v2 =	vld [tilespmem:s19+$0xE040]  }
0x9b: {  	v1 =	vld [tilespmem:s19+$0x10040];
	v0 =	vpsel !p0, $0x0, v0  }
0x9c: {  	[tilespmem:s19+$0x12030] =	vst v0  }
0x9d: {  	v0 =	vld [tilespmem:$0x14040];
	_ =	sdelay $0x2  }
0x9e: {  	v2 =	vmul.f32 v2, v1;
	_ =	sdelay $0x1  }
0x9f: {  	v0 =	vadd.f32 v0, v2;
	_ =	sdelay $0x1  }
0xa0: {  	v0 =	vmax.f32 v0, $0.0e+00  }
0xa1: {  	v0 =	vmul.f32 v0, v1  }
0xa2: {  	v2 =	vld [tilespmem:s19+$0xE050]  }
0xa3: {  	v1 =	vld [tilespmem:s19+$0x10050];
	v0 =	vpsel !p0, $0x0, v0  }
0xa4: {  	[tilespmem:s19+$0x12040] =	vst v0  }
0xa5: {  	v0 =	vld [tilespmem:$0x14050];
	_ =	sdelay $0x2  }
0xa6: {  	v2 =	vmul.f32 v2, v1;
	_ =	sdelay $0x1  }
0xa7: {  	v0 =	vadd.f32 v0, v2;
	_ =	sdelay $0x1  }
0xa8: {  	v0 =	vmax.f32 v0, $0.0e+00  }
0xa9: {  	v0 =	vmul.f32 v0, v1  }
0xaa: {  	v2 =	vld [tilespmem:s19+$0xE060]  }
0xab: {  	v1 =	vld [tilespmem:s19+$0x10060];
	v0 =	vpsel !p0, $0x0, v0  }
0xac: {  	[tilespmem:s19+$0x12050] =	vst v0  }
0xad: {  	v0 =	vld [tilespmem:$0x14060];
	_ =	sdelay $0x2  }
0xae: {  	v2 =	vmul.f32 v2, v1;
	_ =	sdelay $0x1  }
0xaf: {  	v0 =	vadd.f32 v0, v2;
	_ =	sdelay $0x1  }
0xb0: {  	v0 =	vmax.f32 v0, $0.0e+00  }
0xb1: {  	v0 =	vmul.f32 v0, v1  }
0xb2: {  	v2 =	vld [tilespmem:s19+$0xE070]  }
0xb3: {  	v1 =	vld [tilespmem:s19+$0x10070];
	v0 =	vpsel !p0, $0x0, v0  }
0xb4: {  	[tilespmem:s19+$0x12060] =	vst v0  }
0xb5: {  	v0 =	vld [tilespmem:$0x14070];
	_ =	sdelay $0x2  }
0xb6: {  	v2 =	vmul.f32 v2, v1;
	_ =	sdelay $0x1  }
0xb7: {  	v0 =	vadd.f32 v0, v2;
	_ =	sdelay $0x1  }
0xb8: {  	v0 =	vmax.f32 v0, $0.0e+00  }
0xb9: {  	s22 =	simm.s32 $0x80;
	v1 =	vmul.f32 v0, v1  }
0xba: {  	s21 =	simm.s32 $0x400;
	s14 =	smov.u32 s15;
	v0 =	vld [tilespmem:s22+$0x10000]  }
.LBB2_5:
0xbb: {  	p1 =	sne.s32 s21, $0x7E00;
	v2 =	vld [tilespmem:s22+$0xE000];
	v1 =	vpsel !p0, $0x0, v1  }
0xbc: {  	[tilespmem:s19+$0x12070] =	vst v1;
	s19 =	smov.u32 s22  }
0xbd: {  	v1 =	vld [tilespmem:$0x14000];
	_ =	sdelay $0x2  }
0xbe: {  	v2 =	vmul.f32 v2, v0;
	_ =	sdelay $0x1  }
0xbf: {  	v1 =	vadd.f32 v1, v2;
	_ =	sdelay $0x1  }
0xc0: {  	v1 =	vmax.f32 v1, $0.0e+00  }
0xc1: {  	s14 =	sadd.s32 $0x1, s14;
	v0 =	vmul.f32 v1, v0  }
0xc2: {  	p0 =	slt.u32 s14, $0x2710;
	v1 =	vld [tilespmem:s19+$0x10010]  }
0xc3: {  	v0 =	vpsel !p0, $0x0, v0;
	v2 =	vld [tilespmem:s19+$0xE010]  }
0xc4: {  	[tilespmem:s19+$0x12000] =	vst v0  }
0xc5: {  	v0 =	vld [tilespmem:$0x14010];
	_ =	sdelay $0x2  }
0xc6: {  	v2 =	vmul.f32 v2, v1;
	_ =	sdelay $0x1  }
0xc7: {  	v0 =	vadd.f32 v0, v2;
	_ =	sdelay $0x1  }
0xc8: {  	v0 =	vmax.f32 v0, $0.0e+00  }
0xc9: {  	v0 =	vmul.f32 v0, v1  }
0xca: {  	v1 =	vld [tilespmem:s19+$0x10020]  }
0xcb: {  	v0 =	vpsel !p0, $0x0, v0;
	v2 =	vld [tilespmem:s19+$0xE020]  }
0xcc: {  	[tilespmem:s19+$0x12010] =	vst v0  }
0xcd: {  	v0 =	vld [tilespmem:$0x14020];
	_ =	sdelay $0x2  }
0xce: {  	v2 =	vmul.f32 v2, v1;
	_ =	sdelay $0x1  }
0xcf: {  	v0 =	vadd.f32 v0, v2;
	_ =	sdelay $0x1  }
0xd0: {  	v0 =	vmax.f32 v0, $0.0e+00  }
0xd1: {  	v0 =	vmul.f32 v0, v1  }
0xd2: {  	v1 =	vld [tilespmem:s19+$0x10030]  }
0xd3: {  	v0 =	vpsel !p0, $0x0, v0;
	v2 =	vld [tilespmem:s19+$0xE030]  }
0xd4: {  	[tilespmem:s19+$0x12020] =	vst v0  }
0xd5: {  	v0 =	vld [tilespmem:$0x14030];
	_ =	sdelay $0x2  }
0xd6: {  	v2 =	vmul.f32 v2, v1;
	_ =	sdelay $0x1  }
0xd7: {  	v0 =	vadd.f32 v0, v2;
	_ =	sdelay $0x1  }
0xd8: {  	v0 =	vmax.f32 v0, $0.0e+00  }
0xd9: {  	v0 =	vmul.f32 v0, v1  }
0xda: {  	v1 =	vld [tilespmem:s19+$0x10040]  }
0xdb: {  	v0 =	vpsel !p0, $0x0, v0;
	v2 =	vld [tilespmem:s19+$0xE040]  }
0xdc: {  	[tilespmem:s19+$0x12030] =	vst v0  }
0xdd: {  	v0 =	vld [tilespmem:$0x14040];
	_ =	sdelay $0x2  }
0xde: {  	v2 =	vmul.f32 v2, v1;
	_ =	sdelay $0x1  }
0xdf: {  	v0 =	vadd.f32 v0, v2;
	_ =	sdelay $0x1  }
0xe0: {  	v0 =	vmax.f32 v0, $0.0e+00  }
0xe1: {  	v0 =	vmul.f32 v0, v1  }
0xe2: {  	v1 =	vld [tilespmem:s19+$0x10050]  }
0xe3: {  	v0 =	vpsel !p0, $0x0, v0;
	v2 =	vld [tilespmem:s19+$0xE050]  }
0xe4: {  	[tilespmem:s19+$0x12040] =	vst v0  }
0xe5: {  	v0 =	vld [tilespmem:$0x14050];
	_ =	sdelay $0x2  }
0xe6: {  	v2 =	vmul.f32 v2, v1;
	_ =	sdelay $0x1  }
0xe7: {  	v0 =	vadd.f32 v0, v2;
	_ =	sdelay $0x1  }
0xe8: {  	v0 =	vmax.f32 v0, $0.0e+00  }
0xe9: {  	v0 =	vmul.f32 v0, v1  }
0xea: {  	v1 =	vld [tilespmem:s19+$0x10060]  }
0xeb: {  	v0 =	vpsel !p0, $0x0, v0;
	v2 =	vld [tilespmem:s19+$0xE060]  }
0xec: {  	[tilespmem:s19+$0x12050] =	vst v0  }
0xed: {  	v0 =	vld [tilespmem:$0x14060];
	_ =	sdelay $0x2  }
0xee: {  	v2 =	vmul.f32 v2, v1;
	_ =	sdelay $0x1  }
0xef: {  	v0 =	vadd.f32 v0, v2;
	_ =	sdelay $0x1  }
0xf0: {  	v0 =	vmax.f32 v0, $0.0e+00  }
0xf1: {  	v0 =	vmul.f32 v0, v1  }
0xf2: {  	v1 =	vld [tilespmem:s19+$0x10070]  }
0xf3: {  	v0 =	vpsel !p0, $0x0, v0;
	v2 =	vld [tilespmem:s19+$0xE070]  }
0xf4: {  	[tilespmem:s19+$0x12060] =	vst v0  }
0xf5: {  	v0 =	vld [tilespmem:$0x14070];
	_ =	sdelay $0x2  }
0xf6: {  	v2 =	vmul.f32 v2, v1;
	_ =	sdelay $0x1  }
.Ltmp1:
0xf7: {  	v0 =	vadd.f32 v0, v2;
	(pc) =	sbr.rel @p1 .LBB2_5-.Ltmp1, $4  }
0xf8: {  	_ = 	snop  }
0xf9: {  	v0 =	vmax.f32 v0, $0.0e+00  }
0xfa: {  	s22 =	sshra.s32 s21, $0x2;
	v1 =	vmul.f32 v0, v1  }
0xfb: {  	s21 =	sadd.s32 $0x200, s21;
	v0 =	vld [tilespmem:s22+$0x10000]  }
0xfc: {  	v2 =	vld [tilespmem:s22+$0xE000];
	v1 =	vpsel !p0, $0x0, v1  }
0xfd: {  	[tilespmem:s19+$0x12070] =	vst v1  }
0xfe: {  	v1 =	vld [tilespmem:$0x14000];
	_ =	sdelay $0x2  }
0xff: {  	v2 =	vmul.f32 v2, v0;
	_ =	sdelay $0x1  }
0x100: {  	v1 =	vadd.f32 v1, v2;
	_ =	sdelay $0x1  }
0x101: {  	v1 =	vmax.f32 v1, $0.0e+00  }
0x102: {  	s14 =	sadd.s32 $0x1, s14;
	v49 =	vmul.f32 v1, v0  }
0x103: {  	p6 =	slt.u32 s14, $0x2710;
	v50 =	vld [tilespmem:s22+$0x10010]  }
0x104: {  	v51 =	vld [tilespmem:s22+$0xE010];
	v0 =	vpsel !p6, $0x0, v49  }
0x105: {  	[tilespmem:s22+$0x12000] =	vst v0  }
0x106: {  	v0 =	vld [tilespmem:$0x14010];
	_ =	sdelay $0x2  }
0x107: {  	v2 =	vmul.f32 v51, v50;
	_ =	sdelay $0x1  }
0x108: {  	v0 =	vadd.f32 v0, v2;
	_ =	sdelay $0x1  }
0x109: {  	v0 =	vmax.f32 v0, $0.0e+00  }
0x10a: {  	v0 =	vmul.f32 v0, v50  }
0x10b: {  	v52 =	vld [tilespmem:s22+$0x10020]  }
0x10c: {  	v53 =	vld [tilespmem:s22+$0xE020];
	v0 =	vpsel !p6, $0x0, v0  }
0x10d: {  	[tilespmem:s22+$0x12010] =	vst v0  }
0x10e: {  	v0 =	vld [tilespmem:$0x14020];
	_ =	sdelay $0x2  }
0x10f: {  	v2 =	vmul.f32 v53, v52;
	_ =	sdelay $0x1  }
0x110: {  	v0 =	vadd.f32 v0, v2;
	_ =	sdelay $0x1  }
0x111: {  	v0 =	vmax.f32 v0, $0.0e+00  }
0x112: {  	v0 =	vmul.f32 v0, v52  }
0x113: {  	v54 =	vld [tilespmem:s22+$0x10030]  }
0x114: {  	v55 =	vld [tilespmem:s22+$0xE030];
	v0 =	vpsel !p6, $0x0, v0  }
0x115: {  	[tilespmem:s22+$0x12020] =	vst v0  }
0x116: {  	v0 =	vld [tilespmem:$0x14030];
	_ =	sdelay $0x2  }
0x117: {  	v2 =	vmul.f32 v55, v54;
	_ =	sdelay $0x1  }
0x118: {  	v0 =	vadd.f32 v0, v2;
	_ =	sdelay $0x1  }
0x119: {  	v0 =	vmax.f32 v0, $0.0e+00  }
0x11a: {  	v0 =	vmul.f32 v0, v54  }
0x11b: {  	v56 =	vld [tilespmem:s22+$0x10040]  }
0x11c: {  	v57 =	vld [tilespmem:s22+$0xE040];
	v0 =	vpsel !p6, $0x0, v0  }
0x11d: {  	[tilespmem:s22+$0x12030] =	vst v0  }
0x11e: {  	v0 =	vld [tilespmem:$0x14040];
	_ =	sdelay $0x2  }
0x11f: {  	v2 =	vmul.f32 v57, v56;
	_ =	sdelay $0x1  }
0x120: {  	v0 =	vadd.f32 v0, v2;
	_ =	sdelay $0x1  }
0x121: {  	v0 =	vmax.f32 v0, $0.0e+00  }
0x122: {  	v0 =	vmul.f32 v0, v56  }
0x123: {  	v58 =	vld [tilespmem:s22+$0x10050]  }
0x124: {  	v59 =	vld [tilespmem:s22+$0xE050];
	v0 =	vpsel !p6, $0x0, v0  }
0x125: {  	[tilespmem:s22+$0x12040] =	vst v0  }
0x126: {  	v0 =	vld [tilespmem:$0x14050];
	_ =	sdelay $0x2  }
0x127: {  	v2 =	vmul.f32 v59, v58;
	_ =	sdelay $0x1  }
0x128: {  	v0 =	vadd.f32 v0, v2;
	_ =	sdelay $0x1  }
0x129: {  	v0 =	vmax.f32 v0, $0.0e+00  }
0x12a: {  	v0 =	vmul.f32 v0, v58  }
0x12b: {  	v60 =	vld [tilespmem:s22+$0x10060]  }
0x12c: {  	v61 =	vld [tilespmem:s22+$0xE060];
	v0 =	vpsel !p6, $0x0, v0  }
0x12d: {  	[tilespmem:s22+$0x12050] =	vst v0  }
0x12e: {  	v0 =	vld [tilespmem:$0x14060];
	_ =	sdelay $0x2  }
0x12f: {  	v2 =	vmul.f32 v61, v60;
	_ =	sdelay $0x1  }
0x130: {  	v0 =	vadd.f32 v0, v2;
	_ =	sdelay $0x1  }
0x131: {  	v0 =	vmax.f32 v0, $0.0e+00  }
0x132: {  	v0 =	vmul.f32 v0, v60  }
0x133: {  	v62 =	vld [tilespmem:s22+$0x10070]  }
0x134: {  	v63 =	vld [tilespmem:s22+$0xE070];
	v0 =	vpsel !p6, $0x0, v0  }
0x135: {  	[tilespmem:s22+$0x12060] =	vst v0  }
0x136: {  	v0 =	vld [tilespmem:$0x14070];
	_ =	sdelay $0x2  }
0x137: {  	v2 =	vmul.f32 v63, v62;
	_ =	sdelay $0x1  }
0x138: {  	v0 =	vadd.f32 v0, v2;
	_ =	sdelay $0x1  }
0x139: {  	v0 =	vmax.f32 v0, $0.0e+00  }
0x13a: {  	v0 =	vmul.f32 v0, v62;
	_ =	sdelay $0x1  }
0x13b: {  	v0 =	vpsel !p6, $0x0, v0  }
0x13c: {  	[tilespmem:s22+$0x12070] =	vst v0;
	s22 =	sadd.s32 s7, s18  }
0x13d: {  	[hbm4b:s22+s3] =	stream.linear.scatter [tilespmem:s4], [sflag:$0x3], $0x2000, $0x38;
	[tilespmem:$0x1E400] =	vst v63  }
0x13e: {  	s16 =	sadd.s32 $0x1, s16;
	_ =	swait.ge [sflag:s28], $0x2000  }
0x13f: {  	p0 =	sne.s32 s16, $0x5;
	[sflag:s28] =	ssyncset.done $0x0  }
.Ltmp2:
0x140: {  	[sflag:s28] =	ssyncadd.s32 $0xFFFFE000;
	(pc) =	sbr.rel @p0 .LBB2_4-.Ltmp2, $4  }
0x141: {  	[spmem:s17] =	stream.linear.scatter [tilespmem:s4], [sflag:$0x3], $0x2000, $0x38;
	[tilespmem:$0x1E400] =	vst v63  }
0x142: {  	_ =	swait.ge [sflag:s28], $0x2000  }
0x143: {  	[sflag:s28] =	ssyncset.done $0x0  }
0x144: {  	s15 =	sadd.s32 $0x40, s15;
	[sflag:s28] =	ssyncadd.s32 $0xFFFFE000  }
0x145: {  	[bflag:$0x0] =	sbarrier.arrive $0xFFFF;
	s13 =	simm.s32 $0x100000  }
0x146: {  	s17 =	simm.s32 $0x0;
	[smem:s13], [sflag:$0x0] =	smem.add.s32 $0x0  }
0x147: {  	_ =	swait.done [sflag:s17]  }
0x148: {  	s14 =	ssyncread [sflag:$0x0];
	_ =	sdelay $0x1  }
0x149: {  	s18 =	stileid.u32;
	s15 =	rddreg [dreg:$0x5]  }
0x14a: {  	s14 =	sadd.s32 s15, s14;
	s15 =	sshll.u32 s18, $0x6  }
0x14b: {  	s15 =	sor.u32 s26, s15;
	s14 =	sshll.u32 s14, $0x11  }
0x14c: {  	[sflag:s17] =	ssyncset.s32 $0x0;
	s14 =	sor.u32 s14, s15  }
0x14d: {  	[sflag:s17] =	ssyncset.done $0x0;
	s19 =	sor.u32 $0x1C02, s14  }
0x14e: {  	[sflag:s19] =	ssyncadd.remote.s32 $0x1  }
0x14f: {  	_ =	swait.ge [sflag:s9], $0x1  }
0x150: {  	[sflag:s9] =	ssyncset.done $0x0  }
0x151: {  	s21 =	simm.s32 $0x0;
	[sflag:s9] =	ssyncadd.s32 $0xFFFFFFFF  }
0x152: {  	[tilespmem:s1], [sflag:$0x1] =	stream.indirect.gather [hbm4b:s7+s0], $0x80, s21, s0, $0xb8;
	[tilespmem:$0x1E400] =	vst v63  }
0x153: {  	_ =	swait.ge [sflag:s29], $0x4000  }
0x154: {  	[sflag:s29] =	ssyncset.done $0x0  }
0x155: {  	s22 =	simm.s32 $0x5000;
	[sflag:s29] =	ssyncadd.s32 $0xFFFFC000  }
0x156: {  	[spmem:s2] =	stream.indirect.scatter.add.f32 [tilespmem:s1], [sflag:$0x3], $0x80, s22, s0, $0xb8;
	[tilespmem:$0x1E400] =	vst v63  }
0x157: {  	_ =	swait.ge [sflag:s28], $0x4000  }
0x158: {  	s13 =	simm.s32 $0x200;
	s14 =	simm.s32 $0x400;
	[sflag:s28] =	ssyncset.done $0x0  }
.LBB2_8:
0x159: {  	s15 =	sshra.s32 s13, $0x2  }
0x15a: {  	[sflag:s28] =	ssyncadd.s32 $0xFFFFC000;
	s13 =	smov.u32 s14;
	s16 =	sadd.s32 $0x200, s14  }
0x15b: {  	[tilespmem:s1], [sflag:$0x1] =	stream.indirect.gather [hbm4b:s7+s0], $0x80, s15, s0, $0xb8;
	[tilespmem:$0x1E400] =	vst v63  }
0x15c: {  	p0 =	sne.s32 s14, $0x13A00;
	_ =	swait.ge [sflag:s29], $0x4000  }
.Ltmp3:
0x15d: {  	[sflag:s29] =	ssyncset.done $0x0;
	(pc) =	sbr.rel @p0 .LBB2_8-.Ltmp3, $4  }
0x15e: {  	s14 =	sadd.s32 $0x5000, s15;
	[sflag:s29] =	ssyncadd.s32 $0xFFFFC000  }
0x15f: {  	[spmem:s2] =	stream.indirect.scatter.add.f32 [tilespmem:s1], [sflag:$0x3], $0x80, s14, s0, $0xb8;
	[tilespmem:$0x1E400] =	vst v63  }
0x160: {  	_ =	swait.ge [sflag:s28], $0x4000  }
0x161: {  	s14 =	smov.u32 s16;
	[sflag:s28] =	ssyncset.done $0x0  }
0x162: {  	s13 =	sshra.s32 s13, $0x2;
	[sflag:s28] =	ssyncadd.s32 $0xFFFFC000  }
0x163: {  	[tilespmem:s1], [sflag:$0x1] =	stream.indirect.gather [hbm4b:s7+s0], $0x80, s13, s0, $0xb8;
	[tilespmem:$0x1E400] =	vst v63  }
0x164: {  	_ =	swait.ge [sflag:s29], $0x4000  }
0x165: {  	[sflag:s29] =	ssyncset.done $0x0  }
0x166: {  	s13 =	sadd.s32 $0x5000, s13;
	[sflag:s29] =	ssyncadd.s32 $0xFFFFC000  }
0x167: {  	[spmem:s2] =	stream.indirect.scatter.add.f32 [tilespmem:s1], [sflag:$0x3], $0x80, s13, s0, $0xb8;
	[tilespmem:$0x1E400] =	vst v63  }
0x168: {  	_ =	swait.ge [sflag:s28], $0x4000  }
0x169: {  	[sflag:s28] =	ssyncset.done $0x0  }
0x16a: {  	[sflag:s28] =	ssyncadd.s32 $0xFFFFC000  }
0x16b: {  	s14 =	simm.s32 $0x0;
	s13 =	simm.s32 $0x0;
	[bflag:$0x0] =	sbarrier.arrive $0xFFFF  }
.LBB2_10:
0x16c: {  	s15 =	sshll.u32 s14, $0x6  }
0x16d: {  	s15 =	sadd.s32 s11, s15  }
0x16e: {  	s16 =	sshll.u32 s15, $0x7  }
0x16f: {  	s16 =	sand.u32 $0x3FFFFF80, s16  }
0x170: {  	s16 =	sadd.s32 s16, s2  }
0x171: {  	[tilespmem:s31], [sflag:$0x3] =	stream.linear.gather [spmem:s16], $0x2000, $0x38;
	[tilespmem:$0x1E400] =	vst v63  }
0x172: {  	s15 =	sadd.s32 s10, s15;
	_ =	swait.ge [sflag:s28], $0x2000  }
0x173: {  	s15 =	sshll.u32 s15, $0x4;
	[sflag:s28] =	ssyncset.done $0x0  }
0x174: {  	s22 =	sadd.s32 s6, s15;
	[sflag:s28] =	ssyncadd.s32 $0xFFFFE000  }
0x175: {  	[tilespmem:s30], [sflag:$0x3] =	stream.linear.gather [hbm4b:s22+s13], $0x2000, $0x38;
	[tilespmem:$0x1E400] =	vst v63  }
0x176: {  	_ =	swait.ge [sflag:s28], $0x2000  }
0x177: {  	[sflag:s28] =	ssyncset.done $0x0  }
0x178: {  	s16 =	simm.s32 $0x0;
	[sflag:s28] =	ssyncadd.s32 $0xFFFFE000  }
0x179: {  	v0 =	vld [tilespmem:s16+$0x10070]  }
0x17a: {  	v1 =	vld [tilespmem:s16+$0xE070]  }
0x17b: {  	v2 =	vld [tilespmem:s16+$0x10000]  }
0x17c: {  	v3 =	vld [tilespmem:s16+$0xE000]  }
0x17d: {  	v4 =	vld [tilespmem:s16+$0x10010]  }
0x17e: {  	v5 =	vld [tilespmem:s16+$0xE010]  }
0x17f: {  	v6 =	vld [tilespmem:s16+$0x10020]  }
0x180: {  	v7 =	vld [tilespmem:s16+$0x10030]  }
0x181: {  	v0 =	vmul.f32 v1, v0;
	v1 =	vld [tilespmem:s16+$0xE020]  }
0x182: {  	v8 =	vld [tilespmem:s16+$0xE030]  }
0x183: {  	v9 =	vld [tilespmem:s16+$0xE040];
	v2 =	vmul.f32 v3, v2  }
0x184: {  	[tilespmem:s16+$0x12070] =	vst v0;
	v0 =	vmul.f32 v5, v4;
	v5 =	vld [tilespmem:s16+$0x10040]  }
0x185: {  	v3 =	vld [tilespmem:s16+$0xE050];
	[tilespmem:s16+$0x12000] =	vst v2  }
0x186: {  	v2 =	vld [tilespmem:s16+$0x10050];
	[tilespmem:s16+$0x12010] =	vst v0;
	v0 =	vmul.f32 v1, v6  }
0x187: {  	v4 =	vld [tilespmem:s16+$0xE060];
	v6 =	vmul.f32 v8, v7  }
0x188: {  	s17 =	simm.s32 $0x80;
	[tilespmem:s16+$0x12020] =	vst v0;
	v0 =	vld [tilespmem:s16+$0x10060]  }
0x189: {  	s18 =	simm.s32 $0x400;
	v5 =	vmul.f32 v9, v5;
	v1 =	vld [tilespmem:s17+$0x10070];
	[tilespmem:s16+$0x12030] =	vst v6  }
.LBB2_11:
0x18a: {  	p0 =	sne.s32 s18, $0x7E00;
	v6 =	vld [tilespmem:s17+$0xE070]  }
0x18b: {  	v7 =	vld [tilespmem:s17+$0x10000];
	[tilespmem:s16+$0x12040] =	vst v5;
	v2 =	vmul.f32 v3, v2  }
0x18c: {  	v3 =	vld [tilespmem:s17+$0xE000]  }
0x18d: {  	v5 =	vld [tilespmem:s17+$0x10010];
	[tilespmem:s16+$0x12050] =	vst v2;
	v0 =	vmul.f32 v4, v0  }
0x18e: {  	v2 =	vld [tilespmem:s17+$0xE010]  }
0x18f: {  	v4 =	vld [tilespmem:s17+$0x10020];
	v1 =	vmul.f32 v6, v1;
	[tilespmem:s16+$0x12060] =	vst v0;
	s16 =	smov.u32 s17  }
0x190: {  	v0 =	vld [tilespmem:s16+$0xE020]  }
0x191: {  	v3 =	vmul.f32 v3, v7;
	v6 =	vld [tilespmem:s16+$0x10030];
	[tilespmem:s16+$0x12070] =	vst v1  }
0x192: {  	v1 =	vld [tilespmem:s16+$0xE030]  }
0x193: {  	[tilespmem:s16+$0x12000] =	vst v3;
	v2 =	vmul.f32 v2, v5;
	v5 =	vld [tilespmem:s16+$0x10040]  }
0x194: {  	v7 =	vld [tilespmem:s16+$0xE040]  }
.Ltmp4:
0x195: {  	[tilespmem:s16+$0x12010] =	vst v2;
	v0 =	vmul.f32 v0, v4;
	v2 =	vld [tilespmem:s16+$0x10050];
	(pc) =	sbr.rel @p0 .LBB2_11-.Ltmp4, $4  }
0x196: {  	v3 =	vld [tilespmem:s16+$0xE050]  }
0x197: {  	[tilespmem:s16+$0x12020] =	vst v0;
	v6 =	vmul.f32 v1, v6;
	v0 =	vld [tilespmem:s16+$0x10060]  }
0x198: {  	s17 =	sshra.s32 s18, $0x2;
	v4 =	vld [tilespmem:s16+$0xE060]  }
0x199: {  	s18 =	sadd.s32 $0x200, s18;
	v1 =	vld [tilespmem:s17+$0x10070];
	[tilespmem:s16+$0x12030] =	vst v6;
	v5 =	vmul.f32 v7, v5  }
0x19a: {  	v6 =	vld [tilespmem:s17+$0xE070]  }
0x19b: {  	v7 =	vld [tilespmem:s17+$0x10000];
	[tilespmem:s16+$0x12040] =	vst v5;
	v2 =	vmul.f32 v3, v2  }
0x19c: {  	v51 =	vld [tilespmem:s17+$0xE000]  }
0x19d: {  	v5 =	vld [tilespmem:s17+$0x10010];
	[tilespmem:s16+$0x12050] =	vst v2;
	v0 =	vmul.f32 v4, v0  }
0x19e: {  	v2 =	vld [tilespmem:s17+$0xE010]  }
0x19f: {  	v52 =	vld [tilespmem:s17+$0x10020];
	[tilespmem:s16+$0x12060] =	vst v0  }
0x1a0: {  	v54 =	vld [tilespmem:s17+$0xE020]  }
0x1a1: {  	v55 =	vld [tilespmem:s17+$0x10030]  }
0x1a2: {  	v56 =	vld [tilespmem:s17+$0xE030]  }
0x1a3: {  	v57 =	vld [tilespmem:s17+$0x10040]  }
0x1a4: {  	v58 =	vld [tilespmem:s17+$0xE040]  }
0x1a5: {  	v59 =	vld [tilespmem:s17+$0x10050]  }
0x1a6: {  	v53 =	vmul.f32 v6, v1;
	v60 =	vld [tilespmem:s17+$0xE050]  }
0x1a7: {  	v61 =	vld [tilespmem:s17+$0x10060];
	v3 =	vmul.f32 v51, v7  }
0x1a8: {  	v62 =	vld [tilespmem:s17+$0xE060];
	[tilespmem:s17+$0x12070] =	vst v53;
	v2 =	vmul.f32 v2, v5  }
0x1a9: {  	[tilespmem:s17+$0x12000] =	vst v3;
	v1 =	vmul.f32 v54, v52  }
0x1aa: {  	[tilespmem:s17+$0x12010] =	vst v2;
	v0 =	vmul.f32 v56, v55  }
0x1ab: {  	v3 =	vmul.f32 v58, v57;
	[tilespmem:s17+$0x12020] =	vst v1  }
0x1ac: {  	v63 =	vmul.f32 v60, v59;
	[tilespmem:s17+$0x12030] =	vst v0  }
0x1ad: {  	s14 =	sadd.s32 $0x1, s14;
	[tilespmem:s17+$0x12040] =	vst v3;
	v1 =	vmul.f32 v62, v61  }
0x1ae: {  	p0 =	sne.s32 s14, $0x5;
	[tilespmem:s17+$0x12050] =	vst v63  }
.Ltmp5:
0x1af: {  	s15 =	sadd.s32 s8, s15;
	[tilespmem:s17+$0x12060] =	vst v1;
	(pc) =	sbr.rel @p0 .LBB2_10-.Ltmp5, $4  }
0x1b0: {  	[hbm4b:s15+s3] =	stream.linear.scatter [tilespmem:s4], [sflag:$0x3], $0x2000, $0x38;
	[tilespmem:$0x1E400] =	vst v63  }
0x1b1: {  	_ =	swait.ge [sflag:s28], $0x2000  }
0x1b2: {  	[sflag:s28] =	ssyncset.done $0x0  }
0x1b3: {  	[sflag:s28] =	ssyncadd.s32 $0xFFFFE000  }
0x1b4: {  	s12 =	sadd.s32 $0x1, s12;
	s13 =	rddreg [dreg:$0x6]  }
0x1b5: {  	p0 =	sne.s32 s12, s13  }
.Ltmp6:
0x1b6: {  	_ = 	snop;
	(pc) =	sbr.rel @p0 .LBB2_1-.Ltmp6, $1  }
0x1b7: {  	_ =	sdelay $0x3  }
0x1b8: {  	_ =	sfence.sel $0x180000  }
0x1b9: {  	[bflag:$0x0] =	sbarrier.arrive $0xFFFF  }
0x1ba: {  	_ =	strace $0x9000004A  }
0x1bb: {  	s0 =	stileid.u32;
	[bflag:$0x2] =	sbarrier.arrive $0xFFFF  }
0x1bc: {  	p0 =	sne.s32 s0, $0x0;
	s0 =	rddreg [dreg:$0x3]  }
0x1bd: {  	s0 =	sadd.s32 @!p0 $0x100000, s0  }
0x1be: {  	[sflag:s0] =	ssyncadd.tile.s32 @!p0 $0x1;
	_ =	shalt  }
.Lfunc_end2:
_tile_overlayer_lowered:
.L_overlay_start_2:
0x1bf: {  	(tag) =	ssettag $0x2  }
0x1c0: {  	s0 =	rddreg [dreg:$0x0];
	s2 =	stileid.u32  }
0x1c1: {  	s1 =	rddreg [dreg:$0x1];
	p0 =	sne.s32 s2, $0x0  }
0x1c2: {  	s3 =	rddreg [dreg:$0x2];
	[bflag:$0x3] =	sbarrier.arrive $0xFFFF;
	s2 =	simm.s32 @!p0 $0x1C03  }
0x1c3: {  	[timem:s3], [sflag:s2] =	dma.local @!p0 [hbm:s0], s1  }
0x1c4: {  	s0 =	simm.s32 @!p0 $0x3  }
0x1c5: {  	_ =	swait.ge @!p0 [sflag:s0], s1  }
0x1c6: {  	s1 =	ssub.s32 @!p0 $0x0, s1;
	[sflag:s0] =	ssyncset.done @!p0 $0x0  }
0x1c7: {  	[sflag:s0] =	ssyncadd.s32 @!p0 s1  }
0x1c8: {  	[bflag:$0x3] =	sbarrier.arrive $0xFFFF  }
0x1c9: {  	_ =	shalt  }

</sc_bundles>
